<compile_context>
chip_gen: v7x
topology: tpu7x:2x2x1
jax: 0.10.2.dev20260603
libtpu: 0.0.44.dev20260713+nightly
codegen_flags: <defaults>
</compile_context>

<pallas_src>
import numpy as np
import jax
import jax.numpy as jnp
from jax import lax
from jax.experimental import pallas as pl
from jax.experimental.pallas import tpu as pltpu
from jax.experimental.pallas import tpu_sc as plsc

_NC, _NS, _L = 2, 16, 16
_NW = _NC * _NS
_B = 4194304
_D = 5
_CW = 4096
_KSC = 18
_RSC = _NW * _CW * _KSC
_RTC = _B - _RSC
_RB = 131072

_BOUNDS = np.arange(0.0, 1.0, 1.0 / 22)[1:][1::2].astype(np.float32)


def _sc_body(xt_hbm, out_hbm,
             a0, a1, a2, a3, a4, b0, b1, b2, b3, b4,
             oa, ob, insem, outsem):
    xv = [[a0, a1, a2, a3, a4], [b0, b1, b2, b3, b4]]
    ov = [oa, ob]
    wid = lax.axis_index("s") * _NC + lax.axis_index("c")
    base = wid * (_CW * _KSC)

    def in_start(ci, b):
        c0 = base + ci * _CW
        for j in range(_D):
            pltpu.async_copy(
                xt_hbm.at[pl.ds(j, 1), pl.ds(c0, _CW)], xv[b][j],
                insem.at[b, j])

    def in_wait(ci, b):
        c0 = base + ci * _CW
        for j in range(_D):
            pltpu.make_async_copy(
                xt_hbm.at[pl.ds(j, 1), pl.ds(c0, _CW)], xv[b][j],
                insem.at[b, j]).wait()

    def out_start(ci, b):
        c0 = base + ci * _CW
        pltpu.async_copy(ov[b], out_hbm.at[pl.ds(c0, _CW)], outsem.at[b])

    def out_wait(ci, b):
        c0 = base + ci * _CW
        pltpu.make_async_copy(
            ov[b], out_hbm.at[pl.ds(c0, _CW)], outsem.at[b]).wait()

    def compute(ci, b):
        def step(i, carry2):
            sl = pl.ds(i * _L, _L)
            acc = jnp.zeros((_L,), jnp.float32)
            for j in range(_D):
                xj = xv[b][j][0, sl]
                acc = acc + jnp.where(xj > _BOUNDS[j], 1.0, 0.0)
                acc = acc + jnp.where(xj > _BOUNDS[j + _D], 1.0, 0.0)
            ov[b][sl] = acc
            return carry2
        lax.fori_loop(0, _CW // _L, step, 0)

    in_start(0, 0)

    def pair(p, carry):
        ci0 = 2 * p
        ci1 = ci0 + 1
        in_start(ci1, 1)

        @pl.when(p > 0)
        def _():
            out_wait(ci0 - 2, 0)

        in_wait(ci0, 0)
        compute(ci0, 0)
        out_start(ci0, 0)

        @pl.when(p + 1 < _KSC // 2)
        def _():
            in_start(ci0 + 2, 0)

        @pl.when(p > 0)
        def _():
            out_wait(ci1 - 2, 1)

        in_wait(ci1, 1)
        compute(ci1, 1)
        out_start(ci1, 1)
        return carry

    lax.fori_loop(0, _KSC // 2, pair, 0)
    out_wait(_KSC - 2, 0)
    out_wait(_KSC - 1, 1)


def _tc_body(xt_ref, o_ref):
    xt = xt_ref[...]
    js = lax.broadcasted_iota(jnp.int32, (_D, 1), 0)
    tlo = jnp.full((_D, 1), float(_BOUNDS[0]), jnp.float32)
    thi = jnp.full((_D, 1), float(_BOUNDS[_D]), jnp.float32)
    for j in range(1, _D):
        tlo = jnp.where(js == j, float(_BOUNDS[j]), tlo)
        thi = jnp.where(js == j, float(_BOUNDS[j + _D]), thi)
    cnt = jnp.where(xt > tlo, jnp.where(xt > thi, 2.0, 1.0), 0.0)
    ones = jnp.ones((1, _D), jnp.float32)
    o_ref[...] = lax.dot_general(
        ones, cnt, (((1,), (0,)), ((), ())),
        preferred_element_type=jnp.float32)[0]


def kernel(x):
    xt = x.T

    sc = pl.kernel(
        _sc_body,
        out_type=jax.ShapeDtypeStruct((_B,), jnp.float32),
        mesh=plsc.VectorSubcoreMesh(
            core_axis_name="c", subcore_axis_name="s",
            num_cores=_NC, num_subcores=_NS,
        ),
        scratch_types=[
            pltpu.VMEM((1, _CW), jnp.float32),
            pltpu.VMEM((1, _CW), jnp.float32),
            pltpu.VMEM((1, _CW), jnp.float32),
            pltpu.VMEM((1, _CW), jnp.float32),
            pltpu.VMEM((1, _CW), jnp.float32),
            pltpu.VMEM((1, _CW), jnp.float32),
            pltpu.VMEM((1, _CW), jnp.float32),
            pltpu.VMEM((1, _CW), jnp.float32),
            pltpu.VMEM((1, _CW), jnp.float32),
            pltpu.VMEM((1, _CW), jnp.float32),
            pltpu.VMEM((_CW,), jnp.float32),
            pltpu.VMEM((_CW,), jnp.float32),
            pltpu.SemaphoreType.DMA((2, _D)),
            pltpu.SemaphoreType.DMA((2,)),
        ],
        compiler_params=pltpu.CompilerParams(
            needs_layout_passes=False, use_tc_tiling_on_sc=True),
    )
    out_sc = sc(xt)

    tc = pl.pallas_call(
        _tc_body,
        grid=(_RTC // _RB,),
        in_specs=[pl.BlockSpec((_D, _RB), lambda i: (0, i + _RSC // _RB))],
        out_specs=pl.BlockSpec((_RB,), lambda i: (i,)),
        out_shape=jax.ShapeDtypeStruct((_RTC,), jnp.float32),
    )
    out_tc = tc(xt)

    return lax.dynamic_update_slice(out_sc, out_tc, (_RSC,))

# --- scband reference (transcript-rebuilt; emitter-appended) ---
"""Pipeline reference for scband-discretizer-29188597744113 (READ-ONLY COPY).

The authoritative reference and input builder live on the scoring server;
editing this copy changes nothing except your own understanding.
"""

import jax, jax.numpy as jnp
import numpy as np

CATEGORIES = 11

def _boundaries(n):
    b = np.arange(0.0, 1.0, 1.0 / (n * 2))[1:]
    b = b[1::2]
    return jnp.asarray(b, dtype=jnp.float32)

def setup_inputs(seed: int = 0) -> dict:
    key = jax.random.key(seed)
    x = jax.random.uniform(key, (4194304, 5), dtype=jnp.float32)
    return {"x": x}

def reference(x):
    b = _boundaries(CATEGORIES)
    B = x.shape[0]
    pad = jnp.ones((B, 5), dtype=x.dtype)
    t = pad * x
    c = jnp.concatenate((x, t), axis=1)
    mask = c > b
    out = jnp.sum(jnp.where(mask, 1.0, 0.0), axis=1).astype(jnp.float32)
    return out

if __name__ == "__main__":
    import jax
    _d = setup_inputs()
    print(jax.jit(kernel)(*tuple(_d.values())))

</pallas_src>

<mosaic_0001>
#map = affine_map<(d0, d1) -> (0, 0)>
#map1 = affine_map<(d0, d1) -> (0)>
module attributes {stable_mosaic.version = 14 : i64} {
  func.func @_sc_body(%arg0: i32, %arg1: i32, %arg2: memref<5x4194304xf32, #tpu.memory_space<hbm>>, %arg3: memref<4194304xf32, #tpu.memory_space<hbm>>, %arg4: memref<1x4096xf32, #tpu.memory_space<vmem>>, %arg5: memref<1x4096xf32, #tpu.memory_space<vmem>>, %arg6: memref<1x4096xf32, #tpu.memory_space<vmem>>, %arg7: memref<1x4096xf32, #tpu.memory_space<vmem>>, %arg8: memref<1x4096xf32, #tpu.memory_space<vmem>>, %arg9: memref<1x4096xf32, #tpu.memory_space<vmem>>, %arg10: memref<1x4096xf32, #tpu.memory_space<vmem>>, %arg11: memref<1x4096xf32, #tpu.memory_space<vmem>>, %arg12: memref<1x4096xf32, #tpu.memory_space<vmem>>, %arg13: memref<1x4096xf32, #tpu.memory_space<vmem>>, %arg14: memref<4096xf32, #tpu.memory_space<vmem>>, %arg15: memref<4096xf32, #tpu.memory_space<vmem>>, %arg16: memref<2x5x!tpu.dma_semaphore, #tpu.memory_space<semaphore_mem>>, %arg17: memref<2x!tpu.dma_semaphore, #tpu.memory_space<semaphore_mem>>) attributes {dimension_semantics = [#tpu.dimension_semantics<core_parallel>, #tpu.dimension_semantics<subcore_parallel>], iteration_bounds = array<i64: 2, 16>, scalar_prefetch = 0 : i64, scratch_operands = 14 : i64, tpu.core_type = #tpu.core_type<sc_vector_subcore>, window_params = [{transform_indices = #map}, {transform_indices = #map1}]} {
    %mul3A = arith.constant 2 : i32
    %mul3A_0 = arith.muli %arg1, %mul3A : i32
    %add3A = arith.addi %mul3A_0, %arg0 : i32
    %mul3A_1 = arith.constant 73728 : i32
    %mul3A_2 = arith.muli %add3A, %mul3A_1 : i32
    %add3A_3 = arith.constant 0 : i32
    %add3A_4 = arith.addi %mul3A_2, %add3A_3 : i32
    %dma_start3A = arith.constant 0 : i32
    %dma_start3A_5 = arith.constant 0 : i32
    %dma_start3A_6 = arith.constant 0 : i32
    %dma_start3A_7 = tpu.memref_slice %arg2[%dma_start3A_6, %add3A_4] : memref<5x4194304xf32, #tpu.memory_space<hbm>> -> memref<1x4096xf32, #tpu.memory_space<hbm>>
    %dma_start3A_8 = tpu.memref_slice %arg16[%dma_start3A, %dma_start3A_5] : memref<2x5x!tpu.dma_semaphore, #tpu.memory_space<semaphore_mem>> -> memref<1x1x!tpu.dma_semaphore, #tpu.memory_space<semaphore_mem>>
    %dma_start3A_9 = tpu.memref_squeeze %dma_start3A_8 : memref<1x1x!tpu.dma_semaphore, #tpu.memory_space<semaphore_mem>> -> memref<!tpu.dma_semaphore, #tpu.memory_space<semaphore_mem>>
    %dma_start3A_10 = arith.constant 0 : i32
    %dma_start3A_11 = tpu.memref_slice %arg2[%dma_start3A_10, %add3A_4] : memref<5x4194304xf32, #tpu.memory_space<hbm>> -> memref<1x4096xf32, #tpu.memory_space<hbm>>
    tpu.enqueue_dma source(%dma_start3A_11 : memref<1x4096xf32, #tpu.memory_space<hbm>>) target(%arg4 : memref<1x4096xf32, #tpu.memory_space<vmem>>) target_semaphore(%dma_start3A_9 : memref<!tpu.dma_semaphore, #tpu.memory_space<semaphore_mem>>)
    %dma_start3A_12 = arith.constant 0 : i32
    %dma_start3A_13 = arith.constant 1 : i32
    %dma_start3A_14 = arith.constant 1 : i32
    %dma_start3A_15 = tpu.memref_slice %arg2[%dma_start3A_14, %add3A_4] : memref<5x4194304xf32, #tpu.memory_space<hbm>> -> memref<1x4096xf32, #tpu.memory_space<hbm>>
    %dma_start3A_16 = tpu.memref_slice %arg16[%dma_start3A_12, %dma_start3A_13] : memref<2x5x!tpu.dma_semaphore, #tpu.memory_space<semaphore_mem>> -> memref<1x1x!tpu.dma_semaphore, #tpu.memory_space<semaphore_mem>>
    %dma_start3A_17 = tpu.memref_squeeze %dma_start3A_16 : memref<1x1x!tpu.dma_semaphore, #tpu.memory_space<semaphore_mem>> -> memref<!tpu.dma_semaphore, #tpu.memory_space<semaphore_mem>>
    %dma_start3A_18 = arith.constant 1 : i32
    %dma_start3A_19 = tpu.memref_slice %arg2[%dma_start3A_18, %add3A_4] : memref<5x4194304xf32, #tpu.memory_space<hbm>> -> memref<1x4096xf32, #tpu.memory_space<hbm>>
    tpu.enqueue_dma source(%dma_start3A_19 : memref<1x4096xf32, #tpu.memory_space<hbm>>) target(%arg5 : memref<1x4096xf32, #tpu.memory_space<vmem>>) target_semaphore(%dma_start3A_17 : memref<!tpu.dma_semaphore, #tpu.memory_space<semaphore_mem>>)
    %dma_start3A_20 = arith.constant 0 : i32
    %dma_start3A_21 = arith.constant 2 : i32
    %dma_start3A_22 = arith.constant 2 : i32
    %dma_start3A_23 = tpu.memref_slice %arg2[%dma_start3A_22, %add3A_4] : memref<5x4194304xf32, #tpu.memory_space<hbm>> -> memref<1x4096xf32, #tpu.memory_space<hbm>>
    %dma_start3A_24 = tpu.memref_slice %arg16[%dma_start3A_20, %dma_start3A_21] : memref<2x5x!tpu.dma_semaphore, #tpu.memory_space<semaphore_mem>> -> memref<1x1x!tpu.dma_semaphore, #tpu.memory_space<semaphore_mem>>
    %dma_start3A_25 = tpu.memref_squeeze %dma_start3A_24 : memref<1x1x!tpu.dma_semaphore, #tpu.memory_space<semaphore_mem>> -> memref<!tpu.dma_semaphore, #tpu.memory_space<semaphore_mem>>
    %dma_start3A_26 = arith.constant 2 : i32
    %dma_start3A_27 = tpu.memref_slice %arg2[%dma_start3A_26, %add3A_4] : memref<5x4194304xf32, #tpu.memory_space<hbm>> -> memref<1x4096xf32, #tpu.memory_space<hbm>>
    tpu.enqueue_dma source(%dma_start3A_27 : memref<1x4096xf32, #tpu.memory_space<hbm>>) target(%arg6 : memref<1x4096xf32, #tpu.memory_space<vmem>>) target_semaphore(%dma_start3A_25 : memref<!tpu.dma_semaphore, #tpu.memory_space<semaphore_mem>>)
    %dma_start3A_28 = arith.constant 0 : i32
    %dma_start3A_29 = arith.constant 3 : i32
    %dma_start3A_30 = arith.constant 3 : i32
    %dma_start3A_31 = tpu.memref_slice %arg2[%dma_start3A_30, %add3A_4] : memref<5x4194304xf32, #tpu.memory_space<hbm>> -> memref<1x4096xf32, #tpu.memory_space<hbm>>
    %dma_start3A_32 = tpu.memref_slice %arg16[%dma_start3A_28, %dma_start3A_29] : memref<2x5x!tpu.dma_semaphore, #tpu.memory_space<semaphore_mem>> -> memref<1x1x!tpu.dma_semaphore, #tpu.memory_space<semaphore_mem>>
    %dma_start3A_33 = tpu.memref_squeeze %dma_start3A_32 : memref<1x1x!tpu.dma_semaphore, #tpu.memory_space<semaphore_mem>> -> memref<!tpu.dma_semaphore, #tpu.memory_space<semaphore_mem>>
    %dma_start3A_34 = arith.constant 3 : i32
    %dma_start3A_35 = tpu.memref_slice %arg2[%dma_start3A_34, %add3A_4] : memref<5x4194304xf32, #tpu.memory_space<hbm>> -> memref<1x4096xf32, #tpu.memory_space<hbm>>
    tpu.enqueue_dma source(%dma_start3A_35 : memref<1x4096xf32, #tpu.memory_space<hbm>>) target(%arg7 : memref<1x4096xf32, #tpu.memory_space<vmem>>) target_semaphore(%dma_start3A_33 : memref<!tpu.dma_semaphore, #tpu.memory_space<semaphore_mem>>)
    %dma_start3A_36 = arith.constant 0 : i32
    %dma_start3A_37 = arith.constant 4 : i32
    %dma_start3A_38 = arith.constant 4 : i32
    %dma_start3A_39 = tpu.memref_slice %arg2[%dma_start3A_38, %add3A_4] : memref<5x4194304xf32, #tpu.memory_space<hbm>> -> memref<1x4096xf32, #tpu.memory_space<hbm>>
    %dma_start3A_40 = tpu.memref_slice %arg16[%dma_start3A_36, %dma_start3A_37] : memref<2x5x!tpu.dma_semaphore, #tpu.memory_space<semaphore_mem>> -> memref<1x1x!tpu.dma_semaphore, #tpu.memory_space<semaphore_mem>>
    %dma_start3A_41 = tpu.memref_squeeze %dma_start3A_40 : memref<1x1x!tpu.dma_semaphore, #tpu.memory_space<semaphore_mem>> -> memref<!tpu.dma_semaphore, #tpu.memory_space<semaphore_mem>>
    %dma_start3A_42 = arith.constant 4 : i32
    %dma_start3A_43 = tpu.memref_slice %arg2[%dma_start3A_42, %add3A_4] : memref<5x4194304xf32, #tpu.memory_space<hbm>> -> memref<1x4096xf32, #tpu.memory_space<hbm>>
    tpu.enqueue_dma source(%dma_start3A_43 : memref<1x4096xf32, #tpu.memory_space<hbm>>) target(%arg8 : memref<1x4096xf32, #tpu.memory_space<vmem>>) target_semaphore(%dma_start3A_41 : memref<!tpu.dma_semaphore, #tpu.memory_space<semaphore_mem>>)
    %scan3A = arith.constant 0 : i32
    %scan3A_44 = arith.constant 0 : i32
    %scan3A_45 = arith.constant 9 : i32
    %scan3A_46 = arith.addi %scan3A_44, %scan3A_45 : i32
    %scan3A_47 = arith.constant 1 : i32
    scf.for %scan3A_62 = %scan3A_44 to %scan3A_46 step %scan3A_47  : i32 {
      %mul3A_63 = arith.constant 2 : i32
      %mul3A_64 = arith.muli %mul3A_63, %scan3A_62 : i32
      %add3A_65 = arith.constant 1 : i32
      %add3A_66 = arith.addi %mul3A_64, %add3A_65 : i32
      %mul3A_67 = arith.constant 4096 : i32
      %mul3A_68 = arith.muli %add3A_66, %mul3A_67 : i32
      %add3A_69 = arith.addi %mul3A_2, %mul3A_68 : i32
      %dma_start3A_70 = arith.constant 1 : i32
      %dma_start3A_71 = arith.constant 0 : i32
      %dma_start3A_72 = arith.constant 0 : i32
      %dma_start3A_73 = tpu.memref_slice %arg2[%dma_start3A_72, %add3A_69] : memref<5x4194304xf32, #tpu.memory_space<hbm>> -> memref<1x4096xf32, #tpu.memory_space<hbm>>
      %dma_start3A_74 = tpu.memref_slice %arg16[%dma_start3A_70, %dma_start3A_71] : memref<2x5x!tpu.dma_semaphore, #tpu.memory_space<semaphore_mem>> -> memref<1x1x!tpu.dma_semaphore, #tpu.memory_space<semaphore_mem>>
      %dma_start3A_75 = tpu.memref_squeeze %dma_start3A_74 : memref<1x1x!tpu.dma_semaphore, #tpu.memory_space<semaphore_mem>> -> memref<!tpu.dma_semaphore, #tpu.memory_space<semaphore_mem>>
      %dma_start3A_76 = arith.constant 0 : i32
      %dma_start3A_77 = tpu.memref_slice %arg2[%dma_start3A_76, %add3A_69] : memref<5x4194304xf32, #tpu.memory_space<hbm>> -> memref<1x4096xf32, #tpu.memory_space<hbm>>
      tpu.enqueue_dma source(%dma_start3A_77 : memref<1x4096xf32, #tpu.memory_space<hbm>>) target(%arg9 : memref<1x4096xf32, #tpu.memory_space<vmem>>) target_semaphore(%dma_start3A_75 : memref<!tpu.dma_semaphore, #tpu.memory_space<semaphore_mem>>)
      %dma_start3A_78 = arith.constant 1 : i32
      %dma_start3A_79 = arith.constant 1 : i32
      %dma_start3A_80 = arith.constant 1 : i32
      %dma_start3A_81 = tpu.memref_slice %arg2[%dma_start3A_80, %add3A_69] : memref<5x4194304xf32, #tpu.memory_space<hbm>> -> memref<1x4096xf32, #tpu.memory_space<hbm>>
      %dma_start3A_82 = tpu.memref_slice %arg16[%dma_start3A_78, %dma_start3A_79] : memref<2x5x!tpu.dma_semaphore, #tpu.memory_space<semaphore_mem>> -> memref<1x1x!tpu.dma_semaphore, #tpu.memory_space<semaphore_mem>>
      %dma_start3A_83 = tpu.memref_squeeze %dma_start3A_82 : memref<1x1x!tpu.dma_semaphore, #tpu.memory_space<semaphore_mem>> -> memref<!tpu.dma_semaphore, #tpu.memory_space<semaphore_mem>>
      %dma_start3A_84 = arith.constant 1 : i32
      %dma_start3A_85 = tpu.memref_slice %arg2[%dma_start3A_84, %add3A_69] : memref<5x4194304xf32, #tpu.memory_space<hbm>> -> memref<1x4096xf32, #tpu.memory_space<hbm>>
      tpu.enqueue_dma source(%dma_start3A_85 : memref<1x4096xf32, #tpu.memory_space<hbm>>) target(%arg10 : memref<1x4096xf32, #tpu.memory_space<vmem>>) target_semaphore(%dma_start3A_83 : memref<!tpu.dma_semaphore, #tpu.memory_space<semaphore_mem>>)
      %dma_start3A_86 = arith.constant 1 : i32
      %dma_start3A_87 = arith.constant 2 : i32
      %dma_start3A_88 = arith.constant 2 : i32
      %dma_start3A_89 = tpu.memref_slice %arg2[%dma_start3A_88, %add3A_69] : memref<5x4194304xf32, #tpu.memory_space<hbm>> -> memref<1x4096xf32, #tpu.memory_space<hbm>>
      %dma_start3A_90 = tpu.memref_slice %arg16[%dma_start3A_86, %dma_start3A_87] : memref<2x5x!tpu.dma_semaphore, #tpu.memory_space<semaphore_mem>> -> memref<1x1x!tpu.dma_semaphore, #tpu.memory_space<semaphore_mem>>
      %dma_start3A_91 = tpu.memref_squeeze %dma_start3A_90 : memref<1x1x!tpu.dma_semaphore, #tpu.memory_space<semaphore_mem>> -> memref<!tpu.dma_semaphore, #tpu.memory_space<semaphore_mem>>
      %dma_start3A_92 = arith.constant 2 : i32
      %dma_start3A_93 = tpu.memref_slice %arg2[%dma_start3A_92, %add3A_69] : memref<5x4194304xf32, #tpu.memory_space<hbm>> -> memref<1x4096xf32, #tpu.memory_space<hbm>>
      tpu.enqueue_dma source(%dma_start3A_93 : memref<1x4096xf32, #tpu.memory_space<hbm>>) target(%arg11 : memref<1x4096xf32, #tpu.memory_space<vmem>>) target_semaphore(%dma_start3A_91 : memref<!tpu.dma_semaphore, #tpu.memory_space<semaphore_mem>>)
      %dma_start3A_94 = arith.constant 1 : i32
      %dma_start3A_95 = arith.constant 3 : i32
      %dma_start3A_96 = arith.constant 3 : i32
      %dma_start3A_97 = tpu.memref_slice %arg2[%dma_start3A_96, %add3A_69] : memref<5x4194304xf32, #tpu.memory_space<hbm>> -> memref<1x4096xf32, #tpu.memory_space<hbm>>
      %dma_start3A_98 = tpu.memref_slice %arg16[%dma_start3A_94, %dma_start3A_95] : memref<2x5x!tpu.dma_semaphore, #tpu.memory_space<semaphore_mem>> -> memref<1x1x!tpu.dma_semaphore, #tpu.memory_space<semaphore_mem>>
      %dma_start3A_99 = tpu.memref_squeeze %dma_start3A_98 : memref<1x1x!tpu.dma_semaphore, #tpu.memory_space<semaphore_mem>> -> memref<!tpu.dma_semaphore, #tpu.memory_space<semaphore_mem>>
      %dma_start3A_100 = arith.constant 3 : i32
      %dma_start3A_101 = tpu.memref_slice %arg2[%dma_start3A_100, %add3A_69] : memref<5x4194304xf32, #tpu.memory_space<hbm>> -> memref<1x4096xf32, #tpu.memory_space<hbm>>
      tpu.enqueue_dma source(%dma_start3A_101 : memref<1x4096xf32, #tpu.memory_space<hbm>>) target(%arg12 : memref<1x4096xf32, #tpu.memory_space<vmem>>) target_semaphore(%dma_start3A_99 : memref<!tpu.dma_semaphore, #tpu.memory_space<semaphore_mem>>)
      %dma_start3A_102 = arith.constant 1 : i32
      %dma_start3A_103 = arith.constant 4 : i32
      %dma_start3A_104 = arith.constant 4 : i32
      %dma_start3A_105 = tpu.memref_slice %arg2[%dma_start3A_104, %add3A_69] : memref<5x4194304xf32, #tpu.memory_space<hbm>> -> memref<1x4096xf32, #tpu.memory_space<hbm>>
      %dma_start3A_106 = tpu.memref_slice %arg16[%dma_start3A_102, %dma_start3A_103] : memref<2x5x!tpu.dma_semaphore, #tpu.memory_space<semaphore_mem>> -> memref<1x1x!tpu.dma_semaphore, #tpu.memory_space<semaphore_mem>>
      %dma_start3A_107 = tpu.memref_squeeze %dma_start3A_106 : memref<1x1x!tpu.dma_semaphore, #tpu.memory_space<semaphore_mem>> -> memref<!tpu.dma_semaphore, #tpu.memory_space<semaphore_mem>>
      %dma_start3A_108 = arith.constant 4 : i32
      %dma_start3A_109 = tpu.memref_slice %arg2[%dma_start3A_108, %add3A_69] : memref<5x4194304xf32, #tpu.memory_space<hbm>> -> memref<1x4096xf32, #tpu.memory_space<hbm>>
      tpu.enqueue_dma source(%dma_start3A_109 : memref<1x4096xf32, #tpu.memory_space<hbm>>) target(%arg13 : memref<1x4096xf32, #tpu.memory_space<vmem>>) target_semaphore(%dma_start3A_107 : memref<!tpu.dma_semaphore, #tpu.memory_space<semaphore_mem>>)
      %gt3A = arith.constant 0 : i32
      %gt3A_110 = arith.cmpi sgt, %scan3A_62, %gt3A : i32
      %convert_element_type3A = arith.extui %gt3A_110 : i1 to i32
      %cond3A = arith.constant 0 : i32
      %cond3A_111 = arith.cmpi ne, %convert_element_type3A, %cond3A : i32
      scf.if %cond3A_111 {
        %sub3A = arith.constant 2 : i32
        %sub3A_237 = arith.subi %mul3A_64, %sub3A : i32
        %mul3A_238 = arith.constant 4096 : i32
        %mul3A_239 = arith.muli %sub3A_237, %mul3A_238 : i32
        %add3A_240 = arith.addi %mul3A_2, %mul3A_239 : i32
        %dma_wait3A_241 = arith.constant 0 : i32
        %dma_wait3A_242 = tpu.memref_slice %arg3[%add3A_240] : memref<4194304xf32, #tpu.memory_space<hbm>> -> memref<4096xf32, #tpu.memory_space<hbm>>
        %dma_wait3A_243 = tpu.memref_slice %arg17[%dma_wait3A_241] : memref<2x!tpu.dma_semaphore, #tpu.memory_space<semaphore_mem>> -> memref<1x!tpu.dma_semaphore, #tpu.memory_space<semaphore_mem>>
        %dma_wait3A_244 = tpu.memref_squeeze %dma_wait3A_243 : memref<1x!tpu.dma_semaphore, #tpu.memory_space<semaphore_mem>> -> memref<!tpu.dma_semaphore, #tpu.memory_space<semaphore_mem>>
        %dma_wait3A_245 = tpu.memref_slice %arg3[%add3A_240] : memref<4194304xf32, #tpu.memory_space<hbm>> -> memref<4096xf32, #tpu.memory_space<hbm>>
        tpu.wait_dma2 semaphore(%dma_wait3A_244 : memref<!tpu.dma_semaphore, #tpu.memory_space<semaphore_mem>>) src(%arg14 : memref<4096xf32, #tpu.memory_space<vmem>>) dst(%dma_wait3A_245 : memref<4096xf32, #tpu.memory_space<hbm>>)
      } else {
      }
      %mul3A_112 = arith.constant 4096 : i32
      %mul3A_113 = arith.muli %mul3A_64, %mul3A_112 : i32
      %add3A_114 = arith.addi %mul3A_2, %mul3A_113 : i32
      %dma_wait3A_115 = arith.constant 0 : i32
      %dma_wait3A_116 = arith.constant 0 : i32
      %dma_wait3A_117 = arith.constant 0 : i32
      %dma_wait3A_118 = tpu.memref_slice %arg2[%dma_wait3A_117, %add3A_114] : memref<5x4194304xf32, #tpu.memory_space<hbm>> -> memref<1x4096xf32, #tpu.memory_space<hbm>>
      %dma_wait3A_119 = tpu.memref_slice %arg16[%dma_wait3A_115, %dma_wait3A_116] : memref<2x5x!tpu.dma_semaphore, #tpu.memory_space<semaphore_mem>> -> memref<1x1x!tpu.dma_semaphore, #tpu.memory_space<semaphore_mem>>
      %dma_wait3A_120 = tpu.memref_squeeze %dma_wait3A_119 : memref<1x1x!tpu.dma_semaphore, #tpu.memory_space<semaphore_mem>> -> memref<!tpu.dma_semaphore, #tpu.memory_space<semaphore_mem>>
      %dma_wait3A_121 = arith.constant 0 : i32
      %dma_wait3A_122 = tpu.memref_slice %arg2[%dma_wait3A_121, %add3A_114] : memref<5x4194304xf32, #tpu.memory_space<hbm>> -> memref<1x4096xf32, #tpu.memory_space<hbm>>
      tpu.wait_dma2 semaphore(%dma_wait3A_120 : memref<!tpu.dma_semaphore, #tpu.memory_space<semaphore_mem>>) src(%dma_wait3A_122 : memref<1x4096xf32, #tpu.memory_space<hbm>>) dst(%arg4 : memref<1x4096xf32, #tpu.memory_space<vmem>>)
      %dma_wait3A_123 = arith.constant 0 : i32
      %dma_wait3A_124 = arith.constant 1 : i32
      %dma_wait3A_125 = arith.constant 1 : i32
      %dma_wait3A_126 = tpu.memref_slice %arg2[%dma_wait3A_125, %add3A_114] : memref<5x4194304xf32, #tpu.memory_space<hbm>> -> memref<1x4096xf32, #tpu.memory_space<hbm>>
      %dma_wait3A_127 = tpu.memref_slice %arg16[%dma_wait3A_123, %dma_wait3A_124] : memref<2x5x!tpu.dma_semaphore, #tpu.memory_space<semaphore_mem>> -> memref<1x1x!tpu.dma_semaphore, #tpu.memory_space<semaphore_mem>>
      %dma_wait3A_128 = tpu.memref_squeeze %dma_wait3A_127 : memref<1x1x!tpu.dma_semaphore, #tpu.memory_space<semaphore_mem>> -> memref<!tpu.dma_semaphore, #tpu.memory_space<semaphore_mem>>
      %dma_wait3A_129 = arith.constant 1 : i32
      %dma_wait3A_130 = tpu.memref_slice %arg2[%dma_wait3A_129, %add3A_114] : memref<5x4194304xf32, #tpu.memory_space<hbm>> -> memref<1x4096xf32, #tpu.memory_space<hbm>>
      tpu.wait_dma2 semaphore(%dma_wait3A_128 : memref<!tpu.dma_semaphore, #tpu.memory_space<semaphore_mem>>) src(%dma_wait3A_130 : memref<1x4096xf32, #tpu.memory_space<hbm>>) dst(%arg5 : memref<1x4096xf32, #tpu.memory_space<vmem>>)
      %dma_wait3A_131 = arith.constant 0 : i32
      %dma_wait3A_132 = arith.constant 2 : i32
      %dma_wait3A_133 = arith.constant 2 : i32
      %dma_wait3A_134 = tpu.memref_slice %arg2[%dma_wait3A_133, %add3A_114] : memref<5x4194304xf32, #tpu.memory_space<hbm>> -> memref<1x4096xf32, #tpu.memory_space<hbm>>
      %dma_wait3A_135 = tpu.memref_slice %arg16[%dma_wait3A_131, %dma_wait3A_132] : memref<2x5x!tpu.dma_semaphore, #tpu.memory_space<semaphore_mem>> -> memref<1x1x!tpu.dma_semaphore, #tpu.memory_space<semaphore_mem>>
      %dma_wait3A_136 = tpu.memref_squeeze %dma_wait3A_135 : memref<1x1x!tpu.dma_semaphore, #tpu.memory_space<semaphore_mem>> -> memref<!tpu.dma_semaphore, #tpu.memory_space<semaphore_mem>>
      %dma_wait3A_137 = arith.constant 2 : i32
      %dma_wait3A_138 = tpu.memref_slice %arg2[%dma_wait3A_137, %add3A_114] : memref<5x4194304xf32, #tpu.memory_space<hbm>> -> memref<1x4096xf32, #tpu.memory_space<hbm>>
      tpu.wait_dma2 semaphore(%dma_wait3A_136 : memref<!tpu.dma_semaphore, #tpu.memory_space<semaphore_mem>>) src(%dma_wait3A_138 : memref<1x4096xf32, #tpu.memory_space<hbm>>) dst(%arg6 : memref<1x4096xf32, #tpu.memory_space<vmem>>)
      %dma_wait3A_139 = arith.constant 0 : i32
      %dma_wait3A_140 = arith.constant 3 : i32
      %dma_wait3A_141 = arith.constant 3 : i32
      %dma_wait3A_142 = tpu.memref_slice %arg2[%dma_wait3A_141, %add3A_114] : memref<5x4194304xf32, #tpu.memory_space<hbm>> -> memref<1x4096xf32, #tpu.memory_space<hbm>>
      %dma_wait3A_143 = tpu.memref_slice %arg16[%dma_wait3A_139, %dma_wait3A_140] : memref<2x5x!tpu.dma_semaphore, #tpu.memory_space<semaphore_mem>> -> memref<1x1x!tpu.dma_semaphore, #tpu.memory_space<semaphore_mem>>
      %dma_wait3A_144 = tpu.memref_squeeze %dma_wait3A_143 : memref<1x1x!tpu.dma_semaphore, #tpu.memory_space<semaphore_mem>> -> memref<!tpu.dma_semaphore, #tpu.memory_space<semaphore_mem>>
      %dma_wait3A_145 = arith.constant 3 : i32
      %dma_wait3A_146 = tpu.memref_slice %arg2[%dma_wait3A_145, %add3A_114] : memref<5x4194304xf32, #tpu.memory_space<hbm>> -> memref<1x4096xf32, #tpu.memory_space<hbm>>
      tpu.wait_dma2 semaphore(%dma_wait3A_144 : memref<!tpu.dma_semaphore, #tpu.memory_space<semaphore_mem>>) src(%dma_wait3A_146 : memref<1x4096xf32, #tpu.memory_space<hbm>>) dst(%arg7 : memref<1x4096xf32, #tpu.memory_space<vmem>>)
      %dma_wait3A_147 = arith.constant 0 : i32
      %dma_wait3A_148 = arith.constant 4 : i32
      %dma_wait3A_149 = arith.constant 4 : i32
      %dma_wait3A_150 = tpu.memref_slice %arg2[%dma_wait3A_149, %add3A_114] : memref<5x4194304xf32, #tpu.memory_space<hbm>> -> memref<1x4096xf32, #tpu.memory_space<hbm>>
      %dma_wait3A_151 = tpu.memref_slice %arg16[%dma_wait3A_147, %dma_wait3A_148] : memref<2x5x!tpu.dma_semaphore, #tpu.memory_space<semaphore_mem>> -> memref<1x1x!tpu.dma_semaphore, #tpu.memory_space<semaphore_mem>>
      %dma_wait3A_152 = tpu.memref_squeeze %dma_wait3A_151 : memref<1x1x!tpu.dma_semaphore, #tpu.memory_space<semaphore_mem>> -> memref<!tpu.dma_semaphore, #tpu.memory_space<semaphore_mem>>
      %dma_wait3A_153 = arith.constant 4 : i32
      %dma_wait3A_154 = tpu.memref_slice %arg2[%dma_wait3A_153, %add3A_114] : memref<5x4194304xf32, #tpu.memory_space<hbm>> -> memref<1x4096xf32, #tpu.memory_space<hbm>>
      tpu.wait_dma2 semaphore(%dma_wait3A_152 : memref<!tpu.dma_semaphore, #tpu.memory_space<semaphore_mem>>) src(%dma_wait3A_154 : memref<1x4096xf32, #tpu.memory_space<hbm>>) dst(%arg8 : memref<1x4096xf32, #tpu.memory_space<vmem>>)
      %scan3A_155 = arith.constant 0 : i32
      %scan3A_156 = arith.constant 0 : i32
      %scan3A_157 = arith.constant 256 : i32
      %scan3A_158 = arith.addi %scan3A_156, %scan3A_157 : i32
      %scan3A_159 = arith.constant 1 : i32
      scf.for %scan3A_237 = %scan3A_156 to %scan3A_158 step %scan3A_159  : i32 {
        %mul3A_238 = arith.constant 16 : i32
        %mul3A_239 = arith.muli %scan3A_237, %mul3A_238 : i32
        %broadcast_in_dim3A = arith.constant 0.000000e+00 : f32
        %broadcast_in_dim3A_240 = vector.broadcast %broadcast_in_dim3A : f32 to vector<16xf32>
        %get3A = arith.constant 0 : i32
        %get3A_241 = arith.index_cast %get3A : i32 to index
        %get3A_242 = arith.index_cast %mul3A_239 : i32 to index
        %get3A_243 = tpu.vector_load %arg4[%get3A_241, %get3A_242] {strides = array<i32>} : memref<1x4096xf32, #tpu.memory_space<vmem>>, vector<16xf32>,
        %gt3A_244 = arith.constant 0.0909090936 : f32
        %gt3A_245 = vector.broadcast %gt3A_244 : f32 to vector<16xf32>
        %gt3A_246 = arith.cmpf ogt, %get3A_243, %gt3A_245 : vector<16xf32>
        %jit3A = arith.constant 1.000000e+00 : f32
        %jit3A_247 = arith.constant 0.000000e+00 : f32
        %broadcast_in_dim3A_248 = vector.broadcast %jit3A : f32 to vector<16xf32>
        %broadcast_in_dim3A_249 = vector.broadcast %jit3A_247 : f32 to vector<16xf32>
        %select_n3A = arith.select %gt3A_246, %broadcast_in_dim3A_248, %broadcast_in_dim3A_249 : vector<16xi1>, vector<16xf32>
        %add3A_250 = arith.addf %broadcast_in_dim3A_240, %select_n3A : vector<16xf32>
        %gt3A_251 = arith.constant 0.545454562 : f32
        %gt3A_252 = vector.broadcast %gt3A_251 : f32 to vector<16xf32>
        %gt3A_253 = arith.cmpf ogt, %get3A_243, %gt3A_252 : vector<16xf32>
        %jit3A_254 = arith.constant 1.000000e+00 : f32
        %jit3A_255 = arith.constant 0.000000e+00 : f32
        %broadcast_in_dim3A_256 = vector.broadcast %jit3A_254 : f32 to vector<16xf32>
        %broadcast_in_dim3A_257 = vector.broadcast %jit3A_255 : f32 to vector<16xf32>
        %select_n3A_258 = arith.select %gt3A_253, %broadcast_in_dim3A_256, %broadcast_in_dim3A_257 : vector<16xi1>, vector<16xf32>
        %add3A_259 = arith.addf %add3A_250, %select_n3A_258 : vector<16xf32>
        %get3A_260 = arith.constant 0 : i32
        %get3A_261 = arith.index_cast %get3A_260 : i32 to index
        %get3A_262 = arith.index_cast %mul3A_239 : i32 to index
        %get3A_263 = tpu.vector_load %arg5[%get3A_261, %get3A_262] {strides = array<i32>} : memref<1x4096xf32, #tpu.memory_space<vmem>>, vector<16xf32>,
        %gt3A_264 = arith.constant 0.181818187 : f32
        %gt3A_265 = vector.broadcast %gt3A_264 : f32 to vector<16xf32>
        %gt3A_266 = arith.cmpf ogt, %get3A_263, %gt3A_265 : vector<16xf32>
        %jit3A_267 = arith.constant 1.000000e+00 : f32
        %jit3A_268 = arith.constant 0.000000e+00 : f32
        %broadcast_in_dim3A_269 = vector.broadcast %jit3A_267 : f32 to vector<16xf32>
        %broadcast_in_dim3A_270 = vector.broadcast %jit3A_268 : f32 to vector<16xf32>
        %select_n3A_271 = arith.select %gt3A_266, %broadcast_in_dim3A_269, %broadcast_in_dim3A_270 : vector<16xi1>, vector<16xf32>
        %add3A_272 = arith.addf %add3A_259, %select_n3A_271 : vector<16xf32>
        %gt3A_273 = arith.constant 0.636363626 : f32
        %gt3A_274 = vector.broadcast %gt3A_273 : f32 to vector<16xf32>
        %gt3A_275 = arith.cmpf ogt, %get3A_263, %gt3A_274 : vector<16xf32>
        %jit3A_276 = arith.constant 1.000000e+00 : f32
        %jit3A_277 = arith.constant 0.000000e+00 : f32
        %broadcast_in_dim3A_278 = vector.broadcast %jit3A_276 : f32 to vector<16xf32>
        %broadcast_in_dim3A_279 = vector.broadcast %jit3A_277 : f32 to vector<16xf32>
        %select_n3A_280 = arith.select %gt3A_275, %broadcast_in_dim3A_278, %broadcast_in_dim3A_279 : vector<16xi1>, vector<16xf32>
        %add3A_281 = arith.addf %add3A_272, %select_n3A_280 : vector<16xf32>
        %get3A_282 = arith.constant 0 : i32
        %get3A_283 = arith.index_cast %get3A_282 : i32 to index
        %get3A_284 = arith.index_cast %mul3A_239 : i32 to index
        %get3A_285 = tpu.vector_load %arg6[%get3A_283, %get3A_284] {strides = array<i32>} : memref<1x4096xf32, #tpu.memory_space<vmem>>, vector<16xf32>,
        %gt3A_286 = arith.constant 0.272727281 : f32
        %gt3A_287 = vector.broadcast %gt3A_286 : f32 to vector<16xf32>
        %gt3A_288 = arith.cmpf ogt, %get3A_285, %gt3A_287 : vector<16xf32>
        %jit3A_289 = arith.constant 1.000000e+00 : f32
        %jit3A_290 = arith.constant 0.000000e+00 : f32
        %broadcast_in_dim3A_291 = vector.broadcast %jit3A_289 : f32 to vector<16xf32>
        %broadcast_in_dim3A_292 = vector.broadcast %jit3A_290 : f32 to vector<16xf32>
        %select_n3A_293 = arith.select %gt3A_288, %broadcast_in_dim3A_291, %broadcast_in_dim3A_292 : vector<16xi1>, vector<16xf32>
        %add3A_294 = arith.addf %add3A_281, %select_n3A_293 : vector<16xf32>
        %gt3A_295 = arith.constant 0.727272749 : f32
        %gt3A_296 = vector.broadcast %gt3A_295 : f32 to vector<16xf32>
        %gt3A_297 = arith.cmpf ogt, %get3A_285, %gt3A_296 : vector<16xf32>
        %jit3A_298 = arith.constant 1.000000e+00 : f32
        %jit3A_299 = arith.constant 0.000000e+00 : f32
        %broadcast_in_dim3A_300 = vector.broadcast %jit3A_298 : f32 to vector<16xf32>
        %broadcast_in_dim3A_301 = vector.broadcast %jit3A_299 : f32 to vector<16xf32>
        %select_n3A_302 = arith.select %gt3A_297, %broadcast_in_dim3A_300, %broadcast_in_dim3A_301 : vector<16xi1>, vector<16xf32>
        %add3A_303 = arith.addf %add3A_294, %select_n3A_302 : vector<16xf32>
        %get3A_304 = arith.constant 0 : i32
        %get3A_305 = arith.index_cast %get3A_304 : i32 to index
        %get3A_306 = arith.index_cast %mul3A_239 : i32 to index
        %get3A_307 = tpu.vector_load %arg7[%get3A_305, %get3A_306] {strides = array<i32>} : memref<1x4096xf32, #tpu.memory_space<vmem>>, vector<16xf32>,
        %gt3A_308 = arith.constant 0.363636374 : f32
        %gt3A_309 = vector.broadcast %gt3A_308 : f32 to vector<16xf32>
        %gt3A_310 = arith.cmpf ogt, %get3A_307, %gt3A_309 : vector<16xf32>
        %jit3A_311 = arith.constant 1.000000e+00 : f32
        %jit3A_312 = arith.constant 0.000000e+00 : f32
        %broadcast_in_dim3A_313 = vector.broadcast %jit3A_311 : f32 to vector<16xf32>
        %broadcast_in_dim3A_314 = vector.broadcast %jit3A_312 : f32 to vector<16xf32>
        %select_n3A_315 = arith.select %gt3A_310, %broadcast_in_dim3A_313, %broadcast_in_dim3A_314 : vector<16xi1>, vector<16xf32>
        %add3A_316 = arith.addf %add3A_303, %select_n3A_315 : vector<16xf32>
        %gt3A_317 = arith.constant 0.818181812 : f32
        %gt3A_318 = vector.broadcast %gt3A_317 : f32 to vector<16xf32>
        %gt3A_319 = arith.cmpf ogt, %get3A_307, %gt3A_318 : vector<16xf32>
        %jit3A_320 = arith.constant 1.000000e+00 : f32
        %jit3A_321 = arith.constant 0.000000e+00 : f32
        %broadcast_in_dim3A_322 = vector.broadcast %jit3A_320 : f32 to vector<16xf32>
        %broadcast_in_dim3A_323 = vector.broadcast %jit3A_321 : f32 to vector<16xf32>
        %select_n3A_324 = arith.select %gt3A_319, %broadcast_in_dim3A_322, %broadcast_in_dim3A_323 : vector<16xi1>, vector<16xf32>
        %add3A_325 = arith.addf %add3A_316, %select_n3A_324 : vector<16xf32>
        %get3A_326 = arith.constant 0 : i32
        %get3A_327 = arith.index_cast %get3A_326 : i32 to index
        %get3A_328 = arith.index_cast %mul3A_239 : i32 to index
        %get3A_329 = tpu.vector_load %arg8[%get3A_327, %get3A_328] {strides = array<i32>} : memref<1x4096xf32, #tpu.memory_space<vmem>>, vector<16xf32>,
        %gt3A_330 = arith.constant 0.454545468 : f32
        %gt3A_331 = vector.broadcast %gt3A_330 : f32 to vector<16xf32>
        %gt3A_332 = arith.cmpf ogt, %get3A_329, %gt3A_331 : vector<16xf32>
        %jit3A_333 = arith.constant 1.000000e+00 : f32
        %jit3A_334 = arith.constant 0.000000e+00 : f32
        %broadcast_in_dim3A_335 = vector.broadcast %jit3A_333 : f32 to vector<16xf32>
        %broadcast_in_dim3A_336 = vector.broadcast %jit3A_334 : f32 to vector<16xf32>
        %select_n3A_337 = arith.select %gt3A_332, %broadcast_in_dim3A_335, %broadcast_in_dim3A_336 : vector<16xi1>, vector<16xf32>
        %add3A_338 = arith.addf %add3A_325, %select_n3A_337 : vector<16xf32>
        %gt3A_339 = arith.constant 0.909090936 : f32
        %gt3A_340 = vector.broadcast %gt3A_339 : f32 to vector<16xf32>
        %gt3A_341 = arith.cmpf ogt, %get3A_329, %gt3A_340 : vector<16xf32>
        %jit3A_342 = arith.constant 1.000000e+00 : f32
        %jit3A_343 = arith.constant 0.000000e+00 : f32
        %broadcast_in_dim3A_344 = vector.broadcast %jit3A_342 : f32 to vector<16xf32>
        %broadcast_in_dim3A_345 = vector.broadcast %jit3A_343 : f32 to vector<16xf32>
        %select_n3A_346 = arith.select %gt3A_341, %broadcast_in_dim3A_344, %broadcast_in_dim3A_345 : vector<16xi1>, vector<16xf32>
        %add3A_347 = arith.addf %add3A_338, %select_n3A_346 : vector<16xf32>
        %swap3A = arith.index_cast %mul3A_239 : i32 to index
        %swap3A_348 = tpu.vector_load %arg14[%swap3A] {strides = array<i32>} : memref<4096xf32, #tpu.memory_space<vmem>>, vector<16xf32>,
        tpu.vector_store %arg14[%swap3A], %add3A_347 {strides = array<i32>} : memref<4096xf32, #tpu.memory_space<vmem>>, vector<16xf32>,
      }
      %scan3A_160 = arith.constant 256 : i32
      %mul3A_161 = arith.constant 4096 : i32
      %mul3A_162 = arith.muli %mul3A_64, %mul3A_161 : i32
      %add3A_163 = arith.addi %mul3A_2, %mul3A_162 : i32
      %dma_start3A_164 = arith.constant 0 : i32
      %dma_start3A_165 = tpu.memref_slice %arg3[%add3A_163] : memref<4194304xf32, #tpu.memory_space<hbm>> -> memref<4096xf32, #tpu.memory_space<hbm>>
      %dma_start3A_166 = tpu.memref_slice %arg17[%dma_start3A_164] : memref<2x!tpu.dma_semaphore, #tpu.memory_space<semaphore_mem>> -> memref<1x!tpu.dma_semaphore, #tpu.memory_space<semaphore_mem>>
      %dma_start3A_167 = tpu.memref_squeeze %dma_start3A_166 : memref<1x!tpu.dma_semaphore, #tpu.memory_space<semaphore_mem>> -> memref<!tpu.dma_semaphore, #tpu.memory_space<semaphore_mem>>
      %dma_start3A_168 = tpu.memref_slice %arg3[%add3A_163] : memref<4194304xf32, #tpu.memory_space<hbm>> -> memref<4096xf32, #tpu.memory_space<hbm>>
      tpu.enqueue_dma source(%arg14 : memref<4096xf32, #tpu.memory_space<vmem>>) target(%dma_start3A_168 : memref<4096xf32, #tpu.memory_space<hbm>>) target_semaphore(%dma_start3A_167 : memref<!tpu.dma_semaphore, #tpu.memory_space<semaphore_mem>>)
      %add3A_169 = arith.constant 1 : i32
      %add3A_170 = arith.addi %scan3A_62, %add3A_169 : i32
      %lt3A = arith.constant 9 : i32
      %lt3A_171 = arith.cmpi slt, %add3A_170, %lt3A : i32
      %convert_element_type3A_172 = arith.extui %lt3A_171 : i1 to i32
      %cond3A_173 = arith.constant 0 : i32
      %cond3A_174 = arith.cmpi ne, %convert_element_type3A_172, %cond3A_173 : i32
      scf.if %cond3A_174 {
        %add3A_237 = arith.constant 2 : i32
        %add3A_238 = arith.addi %mul3A_64, %add3A_237 : i32
        %mul3A_239 = arith.constant 4096 : i32
        %mul3A_240 = arith.muli %add3A_238, %mul3A_239 : i32
        %add3A_241 = arith.addi %mul3A_2, %mul3A_240 : i32
        %dma_start3A_242 = arith.constant 0 : i32
        %dma_start3A_243 = arith.constant 0 : i32
        %dma_start3A_244 = arith.constant 0 : i32
        %dma_start3A_245 = tpu.memref_slice %arg2[%dma_start3A_244, %add3A_241] : memref<5x4194304xf32, #tpu.memory_space<hbm>> -> memref<1x4096xf32, #tpu.memory_space<hbm>>
        %dma_start3A_246 = tpu.memref_slice %arg16[%dma_start3A_242, %dma_start3A_243] : memref<2x5x!tpu.dma_semaphore, #tpu.memory_space<semaphore_mem>> -> memref<1x1x!tpu.dma_semaphore, #tpu.memory_space<semaphore_mem>>
        %dma_start3A_247 = tpu.memref_squeeze %dma_start3A_246 : memref<1x1x!tpu.dma_semaphore, #tpu.memory_space<semaphore_mem>> -> memref<!tpu.dma_semaphore, #tpu.memory_space<semaphore_mem>>
        %dma_start3A_248 = arith.constant 0 : i32
        %dma_start3A_249 = tpu.memref_slice %arg2[%dma_start3A_248, %add3A_241] : memref<5x4194304xf32, #tpu.memory_space<hbm>> -> memref<1x4096xf32, #tpu.memory_space<hbm>>
        tpu.enqueue_dma source(%dma_start3A_249 : memref<1x4096xf32, #tpu.memory_space<hbm>>) target(%arg4 : memref<1x4096xf32, #tpu.memory_space<vmem>>) target_semaphore(%dma_start3A_247 : memref<!tpu.dma_semaphore, #tpu.memory_space<semaphore_mem>>)
        %dma_start3A_250 = arith.constant 0 : i32
        %dma_start3A_251 = arith.constant 1 : i32
        %dma_start3A_252 = arith.constant 1 : i32
        %dma_start3A_253 = tpu.memref_slice %arg2[%dma_start3A_252, %add3A_241] : memref<5x4194304xf32, #tpu.memory_space<hbm>> -> memref<1x4096xf32, #tpu.memory_space<hbm>>
        %dma_start3A_254 = tpu.memref_slice %arg16[%dma_start3A_250, %dma_start3A_251] : memref<2x5x!tpu.dma_semaphore, #tpu.memory_space<semaphore_mem>> -> memref<1x1x!tpu.dma_semaphore, #tpu.memory_space<semaphore_mem>>
        %dma_start3A_255 = tpu.memref_squeeze %dma_start3A_254 : memref<1x1x!tpu.dma_semaphore, #tpu.memory_space<semaphore_mem>> -> memref<!tpu.dma_semaphore, #tpu.memory_space<semaphore_mem>>
        %dma_start3A_256 = arith.constant 1 : i32
        %dma_start3A_257 = tpu.memref_slice %arg2[%dma_start3A_256, %add3A_241] : memref<5x4194304xf32, #tpu.memory_space<hbm>> -> memref<1x4096xf32, #tpu.memory_space<hbm>>
        tpu.enqueue_dma source(%dma_start3A_257 : memref<1x4096xf32, #tpu.memory_space<hbm>>) target(%arg5 : memref<1x4096xf32, #tpu.memory_space<vmem>>) target_semaphore(%dma_start3A_255 : memref<!tpu.dma_semaphore, #tpu.memory_space<semaphore_mem>>)
        %dma_start3A_258 = arith.constant 0 : i32
        %dma_start3A_259 = arith.constant 2 : i32
        %dma_start3A_260 = arith.constant 2 : i32
        %dma_start3A_261 = tpu.memref_slice %arg2[%dma_start3A_260, %add3A_241] : memref<5x4194304xf32, #tpu.memory_space<hbm>> -> memref<1x4096xf32, #tpu.memory_space<hbm>>
        %dma_start3A_262 = tpu.memref_slice %arg16[%dma_start3A_258, %dma_start3A_259] : memref<2x5x!tpu.dma_semaphore, #tpu.memory_space<semaphore_mem>> -> memref<1x1x!tpu.dma_semaphore, #tpu.memory_space<semaphore_mem>>
        %dma_start3A_263 = tpu.memref_squeeze %dma_start3A_262 : memref<1x1x!tpu.dma_semaphore, #tpu.memory_space<semaphore_mem>> -> memref<!tpu.dma_semaphore, #tpu.memory_space<semaphore_mem>>
        %dma_start3A_264 = arith.constant 2 : i32
        %dma_start3A_265 = tpu.memref_slice %arg2[%dma_start3A_264, %add3A_241] : memref<5x4194304xf32, #tpu.memory_space<hbm>> -> memref<1x4096xf32, #tpu.memory_space<hbm>>
        tpu.enqueue_dma source(%dma_start3A_265 : memref<1x4096xf32, #tpu.memory_space<hbm>>) target(%arg6 : memref<1x4096xf32, #tpu.memory_space<vmem>>) target_semaphore(%dma_start3A_263 : memref<!tpu.dma_semaphore, #tpu.memory_space<semaphore_mem>>)
        %dma_start3A_266 = arith.constant 0 : i32
        %dma_start3A_267 = arith.constant 3 : i32
        %dma_start3A_268 = arith.constant 3 : i32
        %dma_start3A_269 = tpu.memref_slice %arg2[%dma_start3A_268, %add3A_241] : memref<5x4194304xf32, #tpu.memory_space<hbm>> -> memref<1x4096xf32, #tpu.memory_space<hbm>>
        %dma_start3A_270 = tpu.memref_slice %arg16[%dma_start3A_266, %dma_start3A_267] : memref<2x5x!tpu.dma_semaphore, #tpu.memory_space<semaphore_mem>> -> memref<1x1x!tpu.dma_semaphore, #tpu.memory_space<semaphore_mem>>
        %dma_start3A_271 = tpu.memref_squeeze %dma_start3A_270 : memref<1x1x!tpu.dma_semaphore, #tpu.memory_space<semaphore_mem>> -> memref<!tpu.dma_semaphore, #tpu.memory_space<semaphore_mem>>
        %dma_start3A_272 = arith.constant 3 : i32
        %dma_start3A_273 = tpu.memref_slice %arg2[%dma_start3A_272, %add3A_241] : memref<5x4194304xf32, #tpu.memory_space<hbm>> -> memref<1x4096xf32, #tpu.memory_space<hbm>>
        tpu.enqueue_dma source(%dma_start3A_273 : memref<1x4096xf32, #tpu.memory_space<hbm>>) target(%arg7 : memref<1x4096xf32, #tpu.memory_space<vmem>>) target_semaphore(%dma_start3A_271 : memref<!tpu.dma_semaphore, #tpu.memory_space<semaphore_mem>>)
        %dma_start3A_274 = arith.constant 0 : i32
        %dma_start3A_275 = arith.constant 4 : i32
        %dma_start3A_276 = arith.constant 4 : i32
        %dma_start3A_277 = tpu.memref_slice %arg2[%dma_start3A_276, %add3A_241] : memref<5x4194304xf32, #tpu.memory_space<hbm>> -> memref<1x4096xf32, #tpu.memory_space<hbm>>
        %dma_start3A_278 = tpu.memref_slice %arg16[%dma_start3A_274, %dma_start3A_275] : memref<2x5x!tpu.dma_semaphore, #tpu.memory_space<semaphore_mem>> -> memref<1x1x!tpu.dma_semaphore, #tpu.memory_space<semaphore_mem>>
        %dma_start3A_279 = tpu.memref_squeeze %dma_start3A_278 : memref<1x1x!tpu.dma_semaphore, #tpu.memory_space<semaphore_mem>> -> memref<!tpu.dma_semaphore, #tpu.memory_space<semaphore_mem>>
        %dma_start3A_280 = arith.constant 4 : i32
        %dma_start3A_281 = tpu.memref_slice %arg2[%dma_start3A_280, %add3A_241] : memref<5x4194304xf32, #tpu.memory_space<hbm>> -> memref<1x4096xf32, #tpu.memory_space<hbm>>
        tpu.enqueue_dma source(%dma_start3A_281 : memref<1x4096xf32, #tpu.memory_space<hbm>>) target(%arg8 : memref<1x4096xf32, #tpu.memory_space<vmem>>) target_semaphore(%dma_start3A_279 : memref<!tpu.dma_semaphore, #tpu.memory_space<semaphore_mem>>)
      } else {
      }
      %gt3A_175 = arith.constant 0 : i32
      %gt3A_176 = arith.cmpi sgt, %scan3A_62, %gt3A_175 : i32
      %convert_element_type3A_177 = arith.extui %gt3A_176 : i1 to i32
      %cond3A_178 = arith.constant 0 : i32
      %cond3A_179 = arith.cmpi ne, %convert_element_type3A_177, %cond3A_178 : i32
      scf.if %cond3A_179 {
        %sub3A = arith.constant 2 : i32
        %sub3A_237 = arith.subi %add3A_66, %sub3A : i32
        %mul3A_238 = arith.constant 4096 : i32
        %mul3A_239 = arith.muli %sub3A_237, %mul3A_238 : i32
        %add3A_240 = arith.addi %mul3A_2, %mul3A_239 : i32
        %dma_wait3A_241 = arith.constant 1 : i32
        %dma_wait3A_242 = tpu.memref_slice %arg3[%add3A_240] : memref<4194304xf32, #tpu.memory_space<hbm>> -> memref<4096xf32, #tpu.memory_space<hbm>>
        %dma_wait3A_243 = tpu.memref_slice %arg17[%dma_wait3A_241] : memref<2x!tpu.dma_semaphore, #tpu.memory_space<semaphore_mem>> -> memref<1x!tpu.dma_semaphore, #tpu.memory_space<semaphore_mem>>
        %dma_wait3A_244 = tpu.memref_squeeze %dma_wait3A_243 : memref<1x!tpu.dma_semaphore, #tpu.memory_space<semaphore_mem>> -> memref<!tpu.dma_semaphore, #tpu.memory_space<semaphore_mem>>
        %dma_wait3A_245 = tpu.memref_slice %arg3[%add3A_240] : memref<4194304xf32, #tpu.memory_space<hbm>> -> memref<4096xf32, #tpu.memory_space<hbm>>
        tpu.wait_dma2 semaphore(%dma_wait3A_244 : memref<!tpu.dma_semaphore, #tpu.memory_space<semaphore_mem>>) src(%arg15 : memref<4096xf32, #tpu.memory_space<vmem>>) dst(%dma_wait3A_245 : memref<4096xf32, #tpu.memory_space<hbm>>)
      } else {
      }
      %mul3A_180 = arith.constant 4096 : i32
      %mul3A_181 = arith.muli %add3A_66, %mul3A_180 : i32
      %add3A_182 = arith.addi %mul3A_2, %mul3A_181 : i32
      %dma_wait3A_183 = arith.constant 1 : i32
      %dma_wait3A_184 = arith.constant 0 : i32
      %dma_wait3A_185 = arith.constant 0 : i32
      %dma_wait3A_186 = tpu.memref_slice %arg2[%dma_wait3A_185, %add3A_182] : memref<5x4194304xf32, #tpu.memory_space<hbm>> -> memref<1x4096xf32, #tpu.memory_space<hbm>>
      %dma_wait3A_187 = tpu.memref_slice %arg16[%dma_wait3A_183, %dma_wait3A_184] : memref<2x5x!tpu.dma_semaphore, #tpu.memory_space<semaphore_mem>> -> memref<1x1x!tpu.dma_semaphore, #tpu.memory_space<semaphore_mem>>
      %dma_wait3A_188 = tpu.memref_squeeze %dma_wait3A_187 : memref<1x1x!tpu.dma_semaphore, #tpu.memory_space<semaphore_mem>> -> memref<!tpu.dma_semaphore, #tpu.memory_space<semaphore_mem>>
      %dma_wait3A_189 = arith.constant 0 : i32
      %dma_wait3A_190 = tpu.memref_slice %arg2[%dma_wait3A_189, %add3A_182] : memref<5x4194304xf32, #tpu.memory_space<hbm>> -> memref<1x4096xf32, #tpu.memory_space<hbm>>
      tpu.wait_dma2 semaphore(%dma_wait3A_188 : memref<!tpu.dma_semaphore, #tpu.memory_space<semaphore_mem>>) src(%dma_wait3A_190 : memref<1x4096xf32, #tpu.memory_space<hbm>>) dst(%arg9 : memref<1x4096xf32, #tpu.memory_space<vmem>>)
      %dma_wait3A_191 = arith.constant 1 : i32
      %dma_wait3A_192 = arith.constant 1 : i32
      %dma_wait3A_193 = arith.constant 1 : i32
      %dma_wait3A_194 = tpu.memref_slice %arg2[%dma_wait3A_193, %add3A_182] : memref<5x4194304xf32, #tpu.memory_space<hbm>> -> memref<1x4096xf32, #tpu.memory_space<hbm>>
      %dma_wait3A_195 = tpu.memref_slice %arg16[%dma_wait3A_191, %dma_wait3A_192] : memref<2x5x!tpu.dma_semaphore, #tpu.memory_space<semaphore_mem>> -> memref<1x1x!tpu.dma_semaphore, #tpu.memory_space<semaphore_mem>>
      %dma_wait3A_196 = tpu.memref_squeeze %dma_wait3A_195 : memref<1x1x!tpu.dma_semaphore, #tpu.memory_space<semaphore_mem>> -> memref<!tpu.dma_semaphore, #tpu.memory_space<semaphore_mem>>
      %dma_wait3A_197 = arith.constant 1 : i32
      %dma_wait3A_198 = tpu.memref_slice %arg2[%dma_wait3A_197, %add3A_182] : memref<5x4194304xf32, #tpu.memory_space<hbm>> -> memref<1x4096xf32, #tpu.memory_space<hbm>>
      tpu.wait_dma2 semaphore(%dma_wait3A_196 : memref<!tpu.dma_semaphore, #tpu.memory_space<semaphore_mem>>) src(%dma_wait3A_198 : memref<1x4096xf32, #tpu.memory_space<hbm>>) dst(%arg10 : memref<1x4096xf32, #tpu.memory_space<vmem>>)
      %dma_wait3A_199 = arith.constant 1 : i32
      %dma_wait3A_200 = arith.constant 2 : i32
      %dma_wait3A_201 = arith.constant 2 : i32
      %dma_wait3A_202 = tpu.memref_slice %arg2[%dma_wait3A_201, %add3A_182] : memref<5x4194304xf32, #tpu.memory_space<hbm>> -> memref<1x4096xf32, #tpu.memory_space<hbm>>
      %dma_wait3A_203 = tpu.memref_slice %arg16[%dma_wait3A_199, %dma_wait3A_200] : memref<2x5x!tpu.dma_semaphore, #tpu.memory_space<semaphore_mem>> -> memref<1x1x!tpu.dma_semaphore, #tpu.memory_space<semaphore_mem>>
      %dma_wait3A_204 = tpu.memref_squeeze %dma_wait3A_203 : memref<1x1x!tpu.dma_semaphore, #tpu.memory_space<semaphore_mem>> -> memref<!tpu.dma_semaphore, #tpu.memory_space<semaphore_mem>>
      %dma_wait3A_205 = arith.constant 2 : i32
      %dma_wait3A_206 = tpu.memref_slice %arg2[%dma_wait3A_205, %add3A_182] : memref<5x4194304xf32, #tpu.memory_space<hbm>> -> memref<1x4096xf32, #tpu.memory_space<hbm>>
      tpu.wait_dma2 semaphore(%dma_wait3A_204 : memref<!tpu.dma_semaphore, #tpu.memory_space<semaphore_mem>>) src(%dma_wait3A_206 : memref<1x4096xf32, #tpu.memory_space<hbm>>) dst(%arg11 : memref<1x4096xf32, #tpu.memory_space<vmem>>)
      %dma_wait3A_207 = arith.constant 1 : i32
      %dma_wait3A_208 = arith.constant 3 : i32
      %dma_wait3A_209 = arith.constant 3 : i32
      %dma_wait3A_210 = tpu.memref_slice %arg2[%dma_wait3A_209, %add3A_182] : memref<5x4194304xf32, #tpu.memory_space<hbm>> -> memref<1x4096xf32, #tpu.memory_space<hbm>>
      %dma_wait3A_211 = tpu.memref_slice %arg16[%dma_wait3A_207, %dma_wait3A_208] : memref<2x5x!tpu.dma_semaphore, #tpu.memory_space<semaphore_mem>> -> memref<1x1x!tpu.dma_semaphore, #tpu.memory_space<semaphore_mem>>
      %dma_wait3A_212 = tpu.memref_squeeze %dma_wait3A_211 : memref<1x1x!tpu.dma_semaphore, #tpu.memory_space<semaphore_mem>> -> memref<!tpu.dma_semaphore, #tpu.memory_space<semaphore_mem>>
      %dma_wait3A_213 = arith.constant 3 : i32
      %dma_wait3A_214 = tpu.memref_slice %arg2[%dma_wait3A_213, %add3A_182] : memref<5x4194304xf32, #tpu.memory_space<hbm>> -> memref<1x4096xf32, #tpu.memory_space<hbm>>
      tpu.wait_dma2 semaphore(%dma_wait3A_212 : memref<!tpu.dma_semaphore, #tpu.memory_space<semaphore_mem>>) src(%dma_wait3A_214 : memref<1x4096xf32, #tpu.memory_space<hbm>>) dst(%arg12 : memref<1x4096xf32, #tpu.memory_space<vmem>>)
      %dma_wait3A_215 = arith.constant 1 : i32
      %dma_wait3A_216 = arith.constant 4 : i32
      %dma_wait3A_217 = arith.constant 4 : i32
      %dma_wait3A_218 = tpu.memref_slice %arg2[%dma_wait3A_217, %add3A_182] : memref<5x4194304xf32, #tpu.memory_space<hbm>> -> memref<1x4096xf32, #tpu.memory_space<hbm>>
      %dma_wait3A_219 = tpu.memref_slice %arg16[%dma_wait3A_215, %dma_wait3A_216] : memref<2x5x!tpu.dma_semaphore, #tpu.memory_space<semaphore_mem>> -> memref<1x1x!tpu.dma_semaphore, #tpu.memory_space<semaphore_mem>>
      %dma_wait3A_220 = tpu.memref_squeeze %dma_wait3A_219 : memref<1x1x!tpu.dma_semaphore, #tpu.memory_space<semaphore_mem>> -> memref<!tpu.dma_semaphore, #tpu.memory_space<semaphore_mem>>
      %dma_wait3A_221 = arith.constant 4 : i32
      %dma_wait3A_222 = tpu.memref_slice %arg2[%dma_wait3A_221, %add3A_182] : memref<5x4194304xf32, #tpu.memory_space<hbm>> -> memref<1x4096xf32, #tpu.memory_space<hbm>>
      tpu.wait_dma2 semaphore(%dma_wait3A_220 : memref<!tpu.dma_semaphore, #tpu.memory_space<semaphore_mem>>) src(%dma_wait3A_222 : memref<1x4096xf32, #tpu.memory_space<hbm>>) dst(%arg13 : memref<1x4096xf32, #tpu.memory_space<vmem>>)
      %scan3A_223 = arith.constant 0 : i32
      %scan3A_224 = arith.constant 0 : i32
      %scan3A_225 = arith.constant 256 : i32
      %scan3A_226 = arith.addi %scan3A_224, %scan3A_225 : i32
      %scan3A_227 = arith.constant 1 : i32
      scf.for %scan3A_237 = %scan3A_224 to %scan3A_226 step %scan3A_227  : i32 {
        %mul3A_238 = arith.constant 16 : i32
        %mul3A_239 = arith.muli %scan3A_237, %mul3A_238 : i32
        %broadcast_in_dim3A = arith.constant 0.000000e+00 : f32
        %broadcast_in_dim3A_240 = vector.broadcast %broadcast_in_dim3A : f32 to vector<16xf32>
        %get3A = arith.constant 0 : i32
        %get3A_241 = arith.index_cast %get3A : i32 to index
        %get3A_242 = arith.index_cast %mul3A_239 : i32 to index
        %get3A_243 = tpu.vector_load %arg9[%get3A_241, %get3A_242] {strides = array<i32>} : memref<1x4096xf32, #tpu.memory_space<vmem>>, vector<16xf32>,
        %gt3A_244 = arith.constant 0.0909090936 : f32
        %gt3A_245 = vector.broadcast %gt3A_244 : f32 to vector<16xf32>
        %gt3A_246 = arith.cmpf ogt, %get3A_243, %gt3A_245 : vector<16xf32>
        %jit3A = arith.constant 1.000000e+00 : f32
        %jit3A_247 = arith.constant 0.000000e+00 : f32
        %broadcast_in_dim3A_248 = vector.broadcast %jit3A : f32 to vector<16xf32>
        %broadcast_in_dim3A_249 = vector.broadcast %jit3A_247 : f32 to vector<16xf32>
        %select_n3A = arith.select %gt3A_246, %broadcast_in_dim3A_248, %broadcast_in_dim3A_249 : vector<16xi1>, vector<16xf32>
        %add3A_250 = arith.addf %broadcast_in_dim3A_240, %select_n3A : vector<16xf32>
        %gt3A_251 = arith.constant 0.545454562 : f32
        %gt3A_252 = vector.broadcast %gt3A_251 : f32 to vector<16xf32>
        %gt3A_253 = arith.cmpf ogt, %get3A_243, %gt3A_252 : vector<16xf32>
        %jit3A_254 = arith.constant 1.000000e+00 : f32
        %jit3A_255 = arith.constant 0.000000e+00 : f32
        %broadcast_in_dim3A_256 = vector.broadcast %jit3A_254 : f32 to vector<16xf32>
        %broadcast_in_dim3A_257 = vector.broadcast %jit3A_255 : f32 to vector<16xf32>
        %select_n3A_258 = arith.select %gt3A_253, %broadcast_in_dim3A_256, %broadcast_in_dim3A_257 : vector<16xi1>, vector<16xf32>
        %add3A_259 = arith.addf %add3A_250, %select_n3A_258 : vector<16xf32>
        %get3A_260 = arith.constant 0 : i32
        %get3A_261 = arith.index_cast %get3A_260 : i32 to index
        %get3A_262 = arith.index_cast %mul3A_239 : i32 to index
        %get3A_263 = tpu.vector_load %arg10[%get3A_261, %get3A_262] {strides = array<i32>} : memref<1x4096xf32, #tpu.memory_space<vmem>>, vector<16xf32>,
        %gt3A_264 = arith.constant 0.181818187 : f32
        %gt3A_265 = vector.broadcast %gt3A_264 : f32 to vector<16xf32>
        %gt3A_266 = arith.cmpf ogt, %get3A_263, %gt3A_265 : vector<16xf32>
        %jit3A_267 = arith.constant 1.000000e+00 : f32
        %jit3A_268 = arith.constant 0.000000e+00 : f32
        %broadcast_in_dim3A_269 = vector.broadcast %jit3A_267 : f32 to vector<16xf32>
        %broadcast_in_dim3A_270 = vector.broadcast %jit3A_268 : f32 to vector<16xf32>
        %select_n3A_271 = arith.select %gt3A_266, %broadcast_in_dim3A_269, %broadcast_in_dim3A_270 : vector<16xi1>, vector<16xf32>
        %add3A_272 = arith.addf %add3A_259, %select_n3A_271 : vector<16xf32>
        %gt3A_273 = arith.constant 0.636363626 : f32
        %gt3A_274 = vector.broadcast %gt3A_273 : f32 to vector<16xf32>
        %gt3A_275 = arith.cmpf ogt, %get3A_263, %gt3A_274 : vector<16xf32>
        %jit3A_276 = arith.constant 1.000000e+00 : f32
        %jit3A_277 = arith.constant 0.000000e+00 : f32
        %broadcast_in_dim3A_278 = vector.broadcast %jit3A_276 : f32 to vector<16xf32>
        %broadcast_in_dim3A_279 = vector.broadcast %jit3A_277 : f32 to vector<16xf32>
        %select_n3A_280 = arith.select %gt3A_275, %broadcast_in_dim3A_278, %broadcast_in_dim3A_279 : vector<16xi1>, vector<16xf32>
        %add3A_281 = arith.addf %add3A_272, %select_n3A_280 : vector<16xf32>
        %get3A_282 = arith.constant 0 : i32
        %get3A_283 = arith.index_cast %get3A_282 : i32 to index
        %get3A_284 = arith.index_cast %mul3A_239 : i32 to index
        %get3A_285 = tpu.vector_load %arg11[%get3A_283, %get3A_284] {strides = array<i32>} : memref<1x4096xf32, #tpu.memory_space<vmem>>, vector<16xf32>,
        %gt3A_286 = arith.constant 0.272727281 : f32
        %gt3A_287 = vector.broadcast %gt3A_286 : f32 to vector<16xf32>
        %gt3A_288 = arith.cmpf ogt, %get3A_285, %gt3A_287 : vector<16xf32>
        %jit3A_289 = arith.constant 1.000000e+00 : f32
        %jit3A_290 = arith.constant 0.000000e+00 : f32
        %broadcast_in_dim3A_291 = vector.broadcast %jit3A_289 : f32 to vector<16xf32>
        %broadcast_in_dim3A_292 = vector.broadcast %jit3A_290 : f32 to vector<16xf32>
        %select_n3A_293 = arith.select %gt3A_288, %broadcast_in_dim3A_291, %broadcast_in_dim3A_292 : vector<16xi1>, vector<16xf32>
        %add3A_294 = arith.addf %add3A_281, %select_n3A_293 : vector<16xf32>
        %gt3A_295 = arith.constant 0.727272749 : f32
        %gt3A_296 = vector.broadcast %gt3A_295 : f32 to vector<16xf32>
        %gt3A_297 = arith.cmpf ogt, %get3A_285, %gt3A_296 : vector<16xf32>
        %jit3A_298 = arith.constant 1.000000e+00 : f32
        %jit3A_299 = arith.constant 0.000000e+00 : f32
        %broadcast_in_dim3A_300 = vector.broadcast %jit3A_298 : f32 to vector<16xf32>
        %broadcast_in_dim3A_301 = vector.broadcast %jit3A_299 : f32 to vector<16xf32>
        %select_n3A_302 = arith.select %gt3A_297, %broadcast_in_dim3A_300, %broadcast_in_dim3A_301 : vector<16xi1>, vector<16xf32>
        %add3A_303 = arith.addf %add3A_294, %select_n3A_302 : vector<16xf32>
        %get3A_304 = arith.constant 0 : i32
        %get3A_305 = arith.index_cast %get3A_304 : i32 to index
        %get3A_306 = arith.index_cast %mul3A_239 : i32 to index
        %get3A_307 = tpu.vector_load %arg12[%get3A_305, %get3A_306] {strides = array<i32>} : memref<1x4096xf32, #tpu.memory_space<vmem>>, vector<16xf32>,
        %gt3A_308 = arith.constant 0.363636374 : f32
        %gt3A_309 = vector.broadcast %gt3A_308 : f32 to vector<16xf32>
        %gt3A_310 = arith.cmpf ogt, %get3A_307, %gt3A_309 : vector<16xf32>
        %jit3A_311 = arith.constant 1.000000e+00 : f32
        %jit3A_312 = arith.constant 0.000000e+00 : f32
        %broadcast_in_dim3A_313 = vector.broadcast %jit3A_311 : f32 to vector<16xf32>
        %broadcast_in_dim3A_314 = vector.broadcast %jit3A_312 : f32 to vector<16xf32>
        %select_n3A_315 = arith.select %gt3A_310, %broadcast_in_dim3A_313, %broadcast_in_dim3A_314 : vector<16xi1>, vector<16xf32>
        %add3A_316 = arith.addf %add3A_303, %select_n3A_315 : vector<16xf32>
        %gt3A_317 = arith.constant 0.818181812 : f32
        %gt3A_318 = vector.broadcast %gt3A_317 : f32 to vector<16xf32>
        %gt3A_319 = arith.cmpf ogt, %get3A_307, %gt3A_318 : vector<16xf32>
        %jit3A_320 = arith.constant 1.000000e+00 : f32
        %jit3A_321 = arith.constant 0.000000e+00 : f32
        %broadcast_in_dim3A_322 = vector.broadcast %jit3A_320 : f32 to vector<16xf32>
        %broadcast_in_dim3A_323 = vector.broadcast %jit3A_321 : f32 to vector<16xf32>
        %select_n3A_324 = arith.select %gt3A_319, %broadcast_in_dim3A_322, %broadcast_in_dim3A_323 : vector<16xi1>, vector<16xf32>
        %add3A_325 = arith.addf %add3A_316, %select_n3A_324 : vector<16xf32>
        %get3A_326 = arith.constant 0 : i32
        %get3A_327 = arith.index_cast %get3A_326 : i32 to index
        %get3A_328 = arith.index_cast %mul3A_239 : i32 to index
        %get3A_329 = tpu.vector_load %arg13[%get3A_327, %get3A_328] {strides = array<i32>} : memref<1x4096xf32, #tpu.memory_space<vmem>>, vector<16xf32>,
        %gt3A_330 = arith.constant 0.454545468 : f32
        %gt3A_331 = vector.broadcast %gt3A_330 : f32 to vector<16xf32>
        %gt3A_332 = arith.cmpf ogt, %get3A_329, %gt3A_331 : vector<16xf32>
        %jit3A_333 = arith.constant 1.000000e+00 : f32
        %jit3A_334 = arith.constant 0.000000e+00 : f32
        %broadcast_in_dim3A_335 = vector.broadcast %jit3A_333 : f32 to vector<16xf32>
        %broadcast_in_dim3A_336 = vector.broadcast %jit3A_334 : f32 to vector<16xf32>
        %select_n3A_337 = arith.select %gt3A_332, %broadcast_in_dim3A_335, %broadcast_in_dim3A_336 : vector<16xi1>, vector<16xf32>
        %add3A_338 = arith.addf %add3A_325, %select_n3A_337 : vector<16xf32>
        %gt3A_339 = arith.constant 0.909090936 : f32
        %gt3A_340 = vector.broadcast %gt3A_339 : f32 to vector<16xf32>
        %gt3A_341 = arith.cmpf ogt, %get3A_329, %gt3A_340 : vector<16xf32>
        %jit3A_342 = arith.constant 1.000000e+00 : f32
        %jit3A_343 = arith.constant 0.000000e+00 : f32
        %broadcast_in_dim3A_344 = vector.broadcast %jit3A_342 : f32 to vector<16xf32>
        %broadcast_in_dim3A_345 = vector.broadcast %jit3A_343 : f32 to vector<16xf32>
        %select_n3A_346 = arith.select %gt3A_341, %broadcast_in_dim3A_344, %broadcast_in_dim3A_345 : vector<16xi1>, vector<16xf32>
        %add3A_347 = arith.addf %add3A_338, %select_n3A_346 : vector<16xf32>
        %swap3A = arith.index_cast %mul3A_239 : i32 to index
        %swap3A_348 = tpu.vector_load %arg15[%swap3A] {strides = array<i32>} : memref<4096xf32, #tpu.memory_space<vmem>>, vector<16xf32>,
        tpu.vector_store %arg15[%swap3A], %add3A_347 {strides = array<i32>} : memref<4096xf32, #tpu.memory_space<vmem>>, vector<16xf32>,
      }
      %scan3A_228 = arith.constant 256 : i32
      %mul3A_229 = arith.constant 4096 : i32
      %mul3A_230 = arith.muli %add3A_66, %mul3A_229 : i32
      %add3A_231 = arith.addi %mul3A_2, %mul3A_230 : i32
      %dma_start3A_232 = arith.constant 1 : i32
      %dma_start3A_233 = tpu.memref_slice %arg3[%add3A_231] : memref<4194304xf32, #tpu.memory_space<hbm>> -> memref<4096xf32, #tpu.memory_space<hbm>>
      %dma_start3A_234 = tpu.memref_slice %arg17[%dma_start3A_232] : memref<2x!tpu.dma_semaphore, #tpu.memory_space<semaphore_mem>> -> memref<1x!tpu.dma_semaphore, #tpu.memory_space<semaphore_mem>>
      %dma_start3A_235 = tpu.memref_squeeze %dma_start3A_234 : memref<1x!tpu.dma_semaphore, #tpu.memory_space<semaphore_mem>> -> memref<!tpu.dma_semaphore, #tpu.memory_space<semaphore_mem>>
      %dma_start3A_236 = tpu.memref_slice %arg3[%add3A_231] : memref<4194304xf32, #tpu.memory_space<hbm>> -> memref<4096xf32, #tpu.memory_space<hbm>>
      tpu.enqueue_dma source(%arg15 : memref<4096xf32, #tpu.memory_space<vmem>>) target(%dma_start3A_236 : memref<4096xf32, #tpu.memory_space<hbm>>) target_semaphore(%dma_start3A_235 : memref<!tpu.dma_semaphore, #tpu.memory_space<semaphore_mem>>)
    }
    %scan3A_48 = arith.constant 9 : i32
    %add3A_49 = arith.constant 65536 : i32
    %add3A_50 = arith.addi %mul3A_2, %add3A_49 : i32
    %dma_wait3A = arith.constant 0 : i32
    %dma_wait3A_51 = tpu.memref_slice %arg3[%add3A_50] : memref<4194304xf32, #tpu.memory_space<hbm>> -> memref<4096xf32, #tpu.memory_space<hbm>>
    %dma_wait3A_52 = tpu.memref_slice %arg17[%dma_wait3A] : memref<2x!tpu.dma_semaphore, #tpu.memory_space<semaphore_mem>> -> memref<1x!tpu.dma_semaphore, #tpu.memory_space<semaphore_mem>>
    %dma_wait3A_53 = tpu.memref_squeeze %dma_wait3A_52 : memref<1x!tpu.dma_semaphore, #tpu.memory_space<semaphore_mem>> -> memref<!tpu.dma_semaphore, #tpu.memory_space<semaphore_mem>>
    %dma_wait3A_54 = tpu.memref_slice %arg3[%add3A_50] : memref<4194304xf32, #tpu.memory_space<hbm>> -> memref<4096xf32, #tpu.memory_space<hbm>>
    tpu.wait_dma2 semaphore(%dma_wait3A_53 : memref<!tpu.dma_semaphore, #tpu.memory_space<semaphore_mem>>) src(%arg14 : memref<4096xf32, #tpu.memory_space<vmem>>) dst(%dma_wait3A_54 : memref<4096xf32, #tpu.memory_space<hbm>>)
    %add3A_55 = arith.constant 69632 : i32
    %add3A_56 = arith.addi %mul3A_2, %add3A_55 : i32
    %dma_wait3A_57 = arith.constant 1 : i32
    %dma_wait3A_58 = tpu.memref_slice %arg3[%add3A_56] : memref<4194304xf32, #tpu.memory_space<hbm>> -> memref<4096xf32, #tpu.memory_space<hbm>>
    %dma_wait3A_59 = tpu.memref_slice %arg17[%dma_wait3A_57] : memref<2x!tpu.dma_semaphore, #tpu.memory_space<semaphore_mem>> -> memref<1x!tpu.dma_semaphore, #tpu.memory_space<semaphore_mem>>
    %dma_wait3A_60 = tpu.memref_squeeze %dma_wait3A_59 : memref<1x!tpu.dma_semaphore, #tpu.memory_space<semaphore_mem>> -> memref<!tpu.dma_semaphore, #tpu.memory_space<semaphore_mem>>
    %dma_wait3A_61 = tpu.memref_slice %arg3[%add3A_56] : memref<4194304xf32, #tpu.memory_space<hbm>> -> memref<4096xf32, #tpu.memory_space<hbm>>
    tpu.wait_dma2 semaphore(%dma_wait3A_60 : memref<!tpu.dma_semaphore, #tpu.memory_space<semaphore_mem>>) src(%arg15 : memref<4096xf32, #tpu.memory_space<vmem>>) dst(%dma_wait3A_61 : memref<4096xf32, #tpu.memory_space<hbm>>)
    return
  }
}

module attributes {stable_mosaic.version = 14 : i64} {
  func.func @_tc_body(%arg0: i32, %arg1: memref<5x131072xf32, #tpu.memory_space<vmem>>, %arg2: memref<131072xf32, #tpu.memory_space<vmem>>) attributes {dimension_semantics = [#tpu.dimension_semantics<arbitrary>], iteration_bounds = array<i64: 14>, scalar_prefetch = 0 : i64, scratch_operands = 0 : i64, tpu.core_type = #tpu.core_type<tc>, window_params = [{transform_indices = @transform_0, window_bounds = array<i64: 5, 131072>}, {transform_indices = @transform_1, window_bounds = array<i64: 131072>}]} {
    %get3A = arith.constant 0 : index
    %get3A_0 = arith.constant 0 : index
    %get3A_1 = vector.load %arg1[%get3A, %get3A_0] : memref<5x131072xf32, #tpu.memory_space<vmem>>, vector<5x131072xf32>
    %iota3A = tpu.iota {dimensions = array<i32: 0>} : vector<5x1xi32>
    %broadcast_in_dim3A = arith.constant 0.0909090936 : f32
    %broadcast_in_dim3A_2 = vector.broadcast %broadcast_in_dim3A : f32 to vector<5x1xf32>
    %broadcast_in_dim3A_3 = arith.constant 0.545454562 : f32
    %broadcast_in_dim3A_4 = vector.broadcast %broadcast_in_dim3A_3 : f32 to vector<5x1xf32>
    %eq3A = arith.constant 1 : i32
    %eq3A_5 = vector.broadcast %eq3A : i32 to vector<5x1xi32>
    %eq3A_6 = arith.cmpi eq, %iota3A, %eq3A_5 : vector<5x1xi32>
    %jit3A = arith.constant 0.181818187 : f32
    %broadcast_in_dim3A_7 = vector.broadcast %jit3A : f32 to vector<5x1xf32>
    %select_n3A = arith.select %eq3A_6, %broadcast_in_dim3A_7, %broadcast_in_dim3A_2 : vector<5x1xi1>, vector<5x1xf32>
    %eq3A_8 = arith.constant 1 : i32
    %eq3A_9 = vector.broadcast %eq3A_8 : i32 to vector<5x1xi32>
    %eq3A_10 = arith.cmpi eq, %iota3A, %eq3A_9 : vector<5x1xi32>
    %jit3A_11 = arith.constant 0.636363626 : f32
    %broadcast_in_dim3A_12 = vector.broadcast %jit3A_11 : f32 to vector<5x1xf32>
    %select_n3A_13 = arith.select %eq3A_10, %broadcast_in_dim3A_12, %broadcast_in_dim3A_4 : vector<5x1xi1>, vector<5x1xf32>
    %eq3A_14 = arith.constant 2 : i32
    %eq3A_15 = vector.broadcast %eq3A_14 : i32 to vector<5x1xi32>
    %eq3A_16 = arith.cmpi eq, %iota3A, %eq3A_15 : vector<5x1xi32>
    %jit3A_17 = arith.constant 0.272727281 : f32
    %broadcast_in_dim3A_18 = vector.broadcast %jit3A_17 : f32 to vector<5x1xf32>
    %select_n3A_19 = arith.select %eq3A_16, %broadcast_in_dim3A_18, %select_n3A : vector<5x1xi1>, vector<5x1xf32>
    %eq3A_20 = arith.constant 2 : i32
    %eq3A_21 = vector.broadcast %eq3A_20 : i32 to vector<5x1xi32>
    %eq3A_22 = arith.cmpi eq, %iota3A, %eq3A_21 : vector<5x1xi32>
    %jit3A_23 = arith.constant 0.727272749 : f32
    %broadcast_in_dim3A_24 = vector.broadcast %jit3A_23 : f32 to vector<5x1xf32>
    %select_n3A_25 = arith.select %eq3A_22, %broadcast_in_dim3A_24, %select_n3A_13 : vector<5x1xi1>, vector<5x1xf32>
    %eq3A_26 = arith.constant 3 : i32
    %eq3A_27 = vector.broadcast %eq3A_26 : i32 to vector<5x1xi32>
    %eq3A_28 = arith.cmpi eq, %iota3A, %eq3A_27 : vector<5x1xi32>
    %jit3A_29 = arith.constant 0.363636374 : f32
    %broadcast_in_dim3A_30 = vector.broadcast %jit3A_29 : f32 to vector<5x1xf32>
    %select_n3A_31 = arith.select %eq3A_28, %broadcast_in_dim3A_30, %select_n3A_19 : vector<5x1xi1>, vector<5x1xf32>
    %eq3A_32 = arith.constant 3 : i32
    %eq3A_33 = vector.broadcast %eq3A_32 : i32 to vector<5x1xi32>
    %eq3A_34 = arith.cmpi eq, %iota3A, %eq3A_33 : vector<5x1xi32>
    %jit3A_35 = arith.constant 0.818181812 : f32
    %broadcast_in_dim3A_36 = vector.broadcast %jit3A_35 : f32 to vector<5x1xf32>
    %select_n3A_37 = arith.select %eq3A_34, %broadcast_in_dim3A_36, %select_n3A_25 : vector<5x1xi1>, vector<5x1xf32>
    %eq3A_38 = arith.constant 4 : i32
    %eq3A_39 = vector.broadcast %eq3A_38 : i32 to vector<5x1xi32>
    %eq3A_40 = arith.cmpi eq, %iota3A, %eq3A_39 : vector<5x1xi32>
    %jit3A_41 = arith.constant 0.454545468 : f32
    %broadcast_in_dim3A_42 = vector.broadcast %jit3A_41 : f32 to vector<5x1xf32>
    %select_n3A_43 = arith.select %eq3A_40, %broadcast_in_dim3A_42, %select_n3A_31 : vector<5x1xi1>, vector<5x1xf32>
    %eq3A_44 = arith.constant 4 : i32
    %eq3A_45 = vector.broadcast %eq3A_44 : i32 to vector<5x1xi32>
    %eq3A_46 = arith.cmpi eq, %iota3A, %eq3A_45 : vector<5x1xi32>
    %jit3A_47 = arith.constant 0.909090936 : f32
    %broadcast_in_dim3A_48 = vector.broadcast %jit3A_47 : f32 to vector<5x1xf32>
    %select_n3A_49 = arith.select %eq3A_46, %broadcast_in_dim3A_48, %select_n3A_37 : vector<5x1xi1>, vector<5x1xf32>
    %gt3A = vector.broadcast %select_n3A_43 : vector<5x1xf32> to vector<5x131072xf32>
    %gt3A_50 = arith.cmpf ogt, %get3A_1, %gt3A : vector<5x131072xf32>
    %gt3A_51 = vector.broadcast %select_n3A_49 : vector<5x1xf32> to vector<5x131072xf32>
    %gt3A_52 = arith.cmpf ogt, %get3A_1, %gt3A_51 : vector<5x131072xf32>
    %jit3A_53 = arith.constant 2.000000e+00 : f32
    %jit3A_54 = arith.constant 1.000000e+00 : f32
    %broadcast_in_dim3A_55 = vector.broadcast %jit3A_53 : f32 to vector<5x131072xf32>
    %broadcast_in_dim3A_56 = vector.broadcast %jit3A_54 : f32 to vector<5x131072xf32>
    %select_n3A_57 = arith.select %gt3A_52, %broadcast_in_dim3A_55, %broadcast_in_dim3A_56 : vector<5x131072xi1>, vector<5x131072xf32>
    %jit3A_58 = arith.constant 0.000000e+00 : f32
    %broadcast_in_dim3A_59 = vector.broadcast %jit3A_58 : f32 to vector<5x131072xf32>
    %select_n3A_60 = arith.select %gt3A_50, %select_n3A_57, %broadcast_in_dim3A_59 : vector<5x131072xi1>, vector<5x131072xf32>
    %broadcast_in_dim3A_61 = arith.constant 1.000000e+00 : f32
    %broadcast_in_dim3A_62 = vector.broadcast %broadcast_in_dim3A_61 : f32 to vector<1x5xf32>
    %dot_general3A = arith.constant dense<0.000000e+00> : vector<1x131072xf32>
    %dot_general3A_63 = tpu.matmul %broadcast_in_dim3A_62, %select_n3A_60, %dot_general3A {dimension_numbers = #tpu.dot_dimension_numbers<[1], [0], [0], [1], [0, 0, 1, 1], [], []>, transpose_lhs_hint = false} : vector<1x5xf32>, vector<5x131072xf32>, vector<1x131072xf32> -> vector<1x131072xf32>
    %squeeze3A = vector.shape_cast %dot_general3A_63 : vector<1x131072xf32> to vector<131072xf32>
    %swap3A = arith.constant 0 : index
    %swap3A_64 = vector.load %arg2[%swap3A] : memref<131072xf32, #tpu.memory_space<vmem>>, vector<131072xf32>
    tpu.vector_store %arg2[%swap3A], %squeeze3A {strides = array<i32>} : memref<131072xf32, #tpu.memory_space<vmem>>, vector<131072xf32>,
    return
  }
  func.func @transform_0(%arg0: i32) -> (i32, i32) {
    %add3A = arith.constant 18 : i32
    %add3A_0 = arith.addi %arg0, %add3A : i32
    %c0_i32 = arith.constant 0 : i32
    %c0_i32_1 = arith.constant 0 : i32
    return %c0_i32, %add3A_0 : i32, i32
  }
  func.func @transform_1(%arg0: i32) -> i32 {
    %c0_i32 = arith.constant 0 : i32
    return %arg0 : i32
  }
}

</mosaic_0001>

<sc_bundles>
// kernel: kernel.4.cloned.1.call-start
scs
__scs_entry_jumppad:
0x0: {  	(pc) =	sbr.rel $0x88, $3  }
0x1: {  	(tag) =	ssettag $0x0;
	lr =	simm.s32 $0x1  }
0x2: {  	[smem:$0x3FA0] =	sst lr;
	_ =	strace $0xD0000000  }
0x3: {  	_ = 	snop  }
0x4: {  	_ = 	snop  }
0x5: {  	_ = 	snop  }
0x6: {  	_ = 	snop  }
0x7: {  	_ = 	snop  }
__scs_overlays_trampoline_lowered:
0x8: {  	[smem:$0x3FAF] =	sst s0  }
0x9: {  	[smem:$0x3FB0] =	sst s1  }
0xa: {  	[smem:$0x3FB1] =	sst s2  }
0xb: {  	[smem:$0x3FB2] =	sst s3  }
0xc: {  	[smem:$0x3FB3] =	sst s4  }
0xd: {  	[smem:$0x3FB4] =	sst s5  }
0xe: {  	[smem:$0x3FB5] =	sst s6  }
0xf: {  	[smem:$0x3FB6] =	sst s7  }
0x10: {  	[smem:$0x3FB7] =	sst s8  }
0x11: {  	[smem:$0x3FB8] =	sst s9;
	s0 =	simm.s32 @!p0 $0x0  }
0x12: {  	s1 =	sld [smem:$0x3F9E];
	s0 =	simm.s32 @p0 $0x1  }
0x13: {  	[smem:$0x3FB9] =	sst s0;
	s0 =	simm.s32 @!p1 $0x0  }
0x14: {  	s2 =	sld [smem:$0x3F9D];
	s0 =	simm.s32 @p1 $0x1  }
0x15: {  	[smem:$0x3FBA] =	sst s0;
	s0 =	simm.s32 @!p2 $0x0  }
0x16: {  	s3 =	sld [smem:$0x3FDB];
	s0 =	simm.s32 @p2 $0x1  }
0x17: {  	s4 =	simm.s32 $0x1BF5;
	[smem:$0x3FBC] =	sst s0  }
0x18: {  	s0 =	sld [smem:$0x3F9F];
	_ =	swait.ge [sflag:s4], $0x0  }
0x19: {  	s7 =	sld [smem:$0x3FA0]  }
0x1a: {  	s8 =	sadd.s32 $0xFFFFE003, lr  }
0x1b: {  	s9 =	sadd.s32 $0xFFFFFEF7, lr;
	s5 =	simm.s32 $0xFFFFFFFF;
	p2 =	slt.u32 s8, $0xFFFFF086  }
0x1c: {  	p1 =	slt.u32 s9, $0xF7A;
	s5 =	simm.s32 @!p2 $0x0  }
0x1d: {  	s5 =	simm.s32 @p1 $0x1;
	p0 =	seq.s32 s7, s2  }
0x1e: {  	s7 =	smul.u32 @!p0 $0xF7A, s2;
	p2 =	seq.s32 @!p0 s5, $0x0  }
0x1f: {  	s9 =	smul.u32 $0xF7A, s1;
	s8 =	simm.s32 @!p0 $0x1BF5;
	p2 =	por !p2, p0  }
0x20: {  	[sflag:s8] =	ssyncset.s32 @!p0 $0xFFFFF086;
	s6 =	sadd.s32 @!p0 s3, s7;
	s7 =	simm.s32 @!p0 $0x108  }
0x21: {  	s3 =	sadd.s32 s3, s9;
	s6 =	sadd.s32 @!p0 $0x88, s6;
	s7 =	simm.s32 @p2 $0x1082  }
0x22: {  	[simem:s7], [sflag:s8] =	dma.local @!p0 [hbm:s6], $0xF7A  }
0x23: {  	s9 =	sor.u32 $0xD0000000, s2;
	s6 =	simm.s32 $0x108;
	_ =	swait.ge @!p0 [sflag:s8], $0x0  }
0x24: {  	s3 =	sadd.s32 $0x88, s3;
	s6 =	simm.s32 @!p1 $0x1082;
	[sflag:s4] =	ssyncset.s32 $0xFFFFF086  }
0x25: {  	[simem:s6], [sflag:s4] =	dma.local [hbm:s3], $0xF7A  }
0x26: {  	[smem:$0x3FA0] =	sst s1;
	(tag) =	ssettag s2;
	_ =	strace s9  }
0x27: {  	s1 =	sld [smem:$0x3FB0]  }
0x28: {  	s2 =	sld [smem:$0x3FB1]  }
0x29: {  	s4 =	sld [smem:$0x3FB3]  }
0x2a: {  	p0 =	seq.s32 s5, $0x0;
	s5 =	sld [smem:$0x3FB4]  }
0x2b: {  	s6 =	sld [smem:$0x3FB5]  }
0x2c: {  	s7 =	sld [smem:$0x3FB6]  }
0x2d: {  	s3 =	simm.s32 $0x108;
	s8 =	sld [smem:$0x3FB7]  }
0x2e: {  	s3 =	simm.s32 @!p0 $0x1082;
	s9 =	sld [smem:$0x3FB8]  }
0x2f: {  	lr =	sadd.s32 s0, s3;
	s0 =	sld [smem:$0x3FAF]  }
0x30: {  	s3 =	sld [smem:$0x3FB2]  }
0x31: {  	[smem:$0x3FBB] =	sst s10  }
0x32: {  	s10 =	sld [smem:$0x3FB9];
	_ =	sdelay $0x3  }
0x33: {  	p0 =	seq.s32 s10, $0x1;
	s10 =	sld [smem:$0x3FBB];
	_ =	sdelay $0x3  }
0x34: {  	[smem:$0x3FBB] =	sst s10  }
0x35: {  	s10 =	sld [smem:$0x3FBA];
	_ =	sdelay $0x3  }
0x36: {  	p1 =	seq.s32 s10, $0x1;
	s10 =	sld [smem:$0x3FBB];
	_ =	sdelay $0x3  }
0x37: {  	[smem:$0x3FBB] =	sst s10  }
0x38: {  	s10 =	sld [smem:$0x3FBC]  }
0x39: {  	_ = 	snop;
	(pc) =	sbr.ind lr, $3  }
0x3a: {  	_ = 	snop  }
0x3b: {  	_ = 	snop  }
0x3c: {  	p2 =	seq.s32 s10, $0x1;
	s10 =	sld [smem:$0x3FBB]  }
0x3d: {  	_ =	shalt  }
0x3e: {  	_ =	shalt  }
0x3f: {  	_ =	shalt  }
0x40: {  	_ =	shalt  }
0x41: {  	_ =	shalt  }
0x42: {  	_ =	shalt  }
0x43: {  	_ =	shalt  }
0x44: {  	_ =	shalt  }
0x45: {  	_ =	shalt  }
0x46: {  	_ =	shalt  }
0x47: {  	_ =	shalt  }
0x48: {  	_ =	shalt  }
0x49: {  	_ =	shalt  }
0x4a: {  	_ =	shalt  }
0x4b: {  	_ =	shalt  }
0x4c: {  	_ =	shalt  }
0x4d: {  	_ =	shalt  }
0x4e: {  	_ =	shalt  }
0x4f: {  	_ =	shalt  }
0x50: {  	_ =	shalt  }
0x51: {  	_ =	shalt  }
0x52: {  	_ =	shalt  }
0x53: {  	_ =	shalt  }
0x54: {  	_ =	shalt  }
0x55: {  	_ =	shalt  }
0x56: {  	_ =	shalt  }
0x57: {  	_ =	shalt  }
0x58: {  	_ =	shalt  }
0x59: {  	_ =	shalt  }
0x5a: {  	_ =	shalt  }
0x5b: {  	_ =	shalt  }
0x5c: {  	_ =	shalt  }
0x5d: {  	_ =	shalt  }
0x5e: {  	_ =	shalt  }
0x5f: {  	_ =	shalt  }
0x60: {  	_ =	shalt  }
0x61: {  	_ =	shalt  }
0x62: {  	_ =	shalt  }
0x63: {  	_ =	shalt  }
0x64: {  	_ =	shalt  }
0x65: {  	_ =	shalt  }
0x66: {  	_ =	shalt  }
0x67: {  	_ =	shalt  }
0x68: {  	_ =	shalt  }
0x69: {  	_ =	shalt  }
0x6a: {  	_ =	shalt  }
0x6b: {  	_ =	shalt  }
0x6c: {  	_ =	shalt  }
0x6d: {  	_ =	shalt  }
0x6e: {  	_ =	shalt  }
0x6f: {  	_ =	shalt  }
0x70: {  	_ =	shalt  }
0x71: {  	_ =	shalt  }
0x72: {  	_ =	shalt  }
0x73: {  	_ =	shalt  }
0x74: {  	_ =	shalt  }
0x75: {  	_ =	shalt  }
0x76: {  	_ =	shalt  }
0x77: {  	_ =	shalt  }
0x78: {  	_ =	shalt  }
0x79: {  	_ =	shalt  }
0x7a: {  	_ =	shalt  }
0x7b: {  	_ =	shalt  }
0x7c: {  	_ =	shalt  }
0x7d: {  	_ =	shalt  }
0x7e: {  	_ =	shalt  }
0x7f: {  	_ =	shalt  }
0x80: {  	_ =	shalt  }
0x81: {  	_ =	shalt  }
0x82: {  	_ =	shalt  }
0x83: {  	_ =	shalt  }
0x84: {  	_ =	shalt  }
0x85: {  	_ =	shalt  }
0x86: {  	_ =	shalt  }
0x87: {  	_ =	shalt  }
.Lfunc_end0:
.L_simem_size_0:
called_computation_lowered:
.L_overlay_start_0:
0x88: {  	s2 =	sld [smem:$0x3FD9]  }
0x89: {  	s3 =	sld [smem:$0x3FFE];
	_ =	sdelay $0x1  }
0x8a: {  	s1 =	srdreg.scid  }
0x8b: {  	s0 =	sand.u32 $0x1, s1  }
0x8c: {  	s18 =	sshll.u32 s0, $0xA;
	s2 =	sadd.s32 s3, s2  }
0x8d: {  	s2 =	sadd.s32 s2, s18  }
0x8e: {  	[smem:$0x3FC7] =	sst s2  }
0x8f: {  	_ = 	snop  }
0x90: {  	s2 =	sld [smem:$0x3FC9]  }
0x91: {  	s19 =	sld [smem:$0x3FD0];
	(tm) =	ssettm $0x1  }
0x92: {  	s4 =	sld [smem:$0x3FFB];
	_ =	sdelay $0x3  }
0x93: {  	_ =	strace s4  }
0x94: {  	s4 =	sld [smem:$0x3FFC];
	_ =	sdelay $0x3  }
0x95: {  	_ =	strace s4  }
0x96: {  	s4 =	sld [smem:$0x3FFD];
	_ =	sdelay $0x3  }
0x97: {  	_ =	strace s4  }
0x98: {  	_ =	strace $0x8FFFFFFF  }
0x99: {  	s20 =	sld [smem:$0x3FDB];
	_ =	sdelay $0x1  }
0x9a: {  	s5 =	simm.s32 $_scs_section_size  }
0x9b: {  	s6 =	simm.s32 $_size__tile_overlayer_lowered;
	s7 =	simm.s32 $_tile_overlayer_lowered  }
0x9c: {  	s23 =	simm.s32 $0x1BFF;
	s22 =	sshll.u32 s7, $0x1;
	s4 =	sadd.s32 s5, s20  }
0x9d: {  	s8 =	simm.s32 $0x0;
	s21 =	sshll.u32 s6, $0x1;
	s6 =	sadd.s32 s22, s4  }
0x9e: {  	[timem:s8], [sflag:s23] =	dma.local [hbm:s6], s21  }
0x9f: {  	_ =	swait.ge [sflag:s23], s21  }
0xa0: {  	s5 =	ssub.s32 $0x0, s21;
	[sflag:s23] =	ssyncset.done $0x0  }
0xa1: {  	[sflag:s23] =	ssyncadd.s32 s5;
	_ =	sdelay $0x1  }
0xa2: {  	s24 =	simm.s32 $0x1B8B  }
0xa3: {  	_ =	swait.ge [sflag:s24], $0x1  }
0xa4: {  	[sflag:s24] =	ssyncset.done $0x0  }
0xa5: {  	s25 =	simm.s32 $0x1B8E;
	[sflag:s24] =	ssyncadd.s32 $0xFFFFFFFF  }
0xa6: {  	s26 =	simm.s32 $execute0_lowered;
	[smem:$0x3FD2] =	sst s25  }
0xa7: {  	s5 =	sshll.u32 s26, $0x1;
	_ =	strace $0x80000046;
	[dreg:$0x1] =	wrdreg $0xFFFFFFFF  }
0xa8: {  	s28 =	simm.s32 $_size_execute0_lowered;
	s4 =	sadd.s32 s4, s5;
	[dreg:$0x0] =	wrdreg $0x0  }
0xa9: {  	s5 =	sshll.u32 s28, $0x1;
	[dreg:$0x2] =	wrdreg s4  }
0xaa: {  	[dreg:$0x3] =	wrdreg s5  }
0xab: {  	[dreg:$0x4] =	wrdreg $0xC0  }
0xac: {  	_ =	task [dreg:s8], $0x5FFFF  }
0xad: {  	[dreg:$0x1] =	wrdreg $0xFFFFFFFF  }
0xae: {  	[dreg:$0x0] =	wrdreg $0x60  }
0xaf: {  	[dreg:$0x2] =	wrdreg s2  }
0xb0: {  	[dreg:$0x3] =	wrdreg s19  }
0xb1: {  	[dreg:$0x4] =	wrdreg $0x9  }
0xb2: {  	_ =	task.clear_ibuf [dreg:s8], $0x5FFFF;
	_ =	strace $0x90000046  }
0xb3: {  	s29 =	simm.s32 $0x9;
	_ =	strace $0x80000048  }
0xb4: {  	_ =	swait.ge [sflag:s29], $0x1  }
0xb5: {  	[sflag:s29] =	ssyncadd.s32 $0xFFFFFFFF  }
0xb6: {  	_ =	strace $0x90000048  }
0xb7: {  	_ =	sfence  }
0xb8: {  	s30 =	sld [smem:$0x0];
	_ =	sdelay $0x2  }
0xb9: {  	s31 =	sshll.u32 s1, $0xD;
	s1 =	sshrl.u32 s1, $0x2  }
0xba: {  	s3 =	sand.u32 $0x4000, s31;
	s1 =	sadd.s32 s1, s30  }
0xbb: {  	s0 =	sor.u32 s3, s0;
	s1 =	sshll.u32 s1, $0x11  }
0xbc: {  	s0 =	sor.u32 s1, s0  }
0xbd: {  	s0 =	sadd.s32 $0x8F2B, s0  }
0xbe: {  	[sflag:s0] =	ssyncadd.remote.s32 $0x1  }
0xbf: {  	_ =	sfence.sel $0xFFFF  }
0xc0: {  	[dreg:$0x0] =	wrdreg $0xFFFFFFFF;
	(pc) =	sbr.abs _section_cstart, $3  }
0xc1: {  	[dreg:$0x1] =	wrdreg $0xFFFFFFFF  }
0xc2: {  	_ =	task.clear_ibuf [dreg:s8], $0x2FFFF;
	_ =	strace $0x9FFFFFFF  }
0xc3: {  	(tm) =	ssettm $0x7FFFFFFF  }
tec
execute0_lowered:
.L_overlay_start_1:
0x0: {  	(tag) =	ssettag $0x1  }
0x1: {  	s2 =	rddreg [dreg:$0x0]  }
0x2: {  	s3 =	rddreg [dreg:$0x1]  }
0x3: {  	s0 =	srdreg.scid;
	s1 =	stileid.u32;
	s4 =	simm.s32 $0x0  }
0x4: {  	s17 =	simm.s32 $0x80;
	s18 =	simm.s32 $0x400;
	s29 =	simm.s32 $0x1  }
0x5: {  	s30 =	simm.s32 $0x2;
	s31 =	simm.s32 $0x3;
	s19 =	simm.s32 $0xA000  }
0x6: {  	s20 =	simm.s32 $0x6;
	s7 =	simm.s32 $0x9;
	s8 =	simm.s32 $0xA  }
0x7: {  	s10 =	simm.s32 $0xB000;
	s0 =	sand.u32 $0x1, s0;
	s1 =	sshll.u32 s1, $0x1  }
0x8: {  	s14 =	simm.s32 $0xC;
	s6 =	ssub.s32 $0x2, s0;
	s0 =	sor.u32 s0, s1  }
0x9: {  	s16 =	simm.s32 $0x0;
	[smem:$0x7FF] =	sst s4;
	s5 =	smul.u32 $0x12000, s0  }
0xa: {  	s9 =	sadd.s32 $0x20, s2;
	s11 =	sadd.s32 $0x30, s2;
	s21 =	sshrl.u32 s6, $0x1  }
0xb: {  	s22 =	ssub.s32 s6, s21;
	s6 =	sadd.s32 $0x10, s2;
	s23 =	sadd.s32 s2, s5  }
0xc: {  	_ =	strace $0x80000047;
	s24 =	sadd.s32 s5, s6;
	[dreg:$0x3] =	wrdreg s23  }
0xd: {  	s12 =	sadd.s32 $0x40, s2;
	s25 =	sadd.s32 s5, s9;
	[dreg:$0x4] =	wrdreg s24  }
0xe: {  	s1 =	simm.s32 $0x5;
	s26 =	sadd.s32 s5, s11;
	[dreg:$0x5] =	wrdreg s25  }
0xf: {  	s21 =	simm.s32 $0x7;
	s28 =	sadd.s32 s5, s12;
	[dreg:$0x6] =	wrdreg s26  }
0x10: {  	s15 =	sadd.s32 $0x2000, s5;
	s0 =	smax.u32 s22, $0x1;
	[dreg:$0x7] =	wrdreg s28  }
0x11: {  	v0 =	vimm.f32 $0.0e+00;
	s22 =	simm.s32 $0x8;
	[dreg:$0x8] =	wrdreg s0;
	s0 =	simm.s32 $0x4  }
.LBB2_1:
0x12: {  	[dreg:$0x9] =	wrdreg s16  }
0x13: {  	s13 =	rddreg [dreg:$0x3]  }
0x14: {  	[tilespmem:s4], [sflag:$0x1] =	stream.strided.gather [hbm4b:s13+s17], $0x1000, s18, s17, $0x38;
	[tilespmem:$0xC000] =	vst v63  }
0x15: {  	s26 =	rddreg [dreg:$0x4];
	s28 =	simm.s32 $0x1000  }
0x16: {  	[tilespmem:s28], [sflag:$0x2] =	stream.strided.gather [hbm4b:s26+s17], $0x1000, s18, s17, $0x38;
	[tilespmem:$0xC000] =	vst v63  }
0x17: {  	s16 =	rddreg [dreg:$0x5];
	s23 =	simm.s32 $0x2000  }
0x18: {  	[tilespmem:s23], [sflag:$0x3] =	stream.strided.gather [hbm4b:s16+s17], $0x1000, s18, s17, $0x38;
	[tilespmem:$0xC000] =	vst v63  }
0x19: {  	s24 =	rddreg [dreg:$0x6];
	s25 =	simm.s32 $0x3000  }
0x1a: {  	[tilespmem:s25], [sflag:$0x4] =	stream.strided.gather [hbm4b:s24+s17], $0x1000, s18, s17, $0x38;
	[tilespmem:$0xC000] =	vst v63  }
0x1b: {  	s13 =	simm.s32 $0x0;
	s26 =	rddreg [dreg:$0x7];
	s28 =	simm.s32 $0x4000  }
0x1c: {  	[tilespmem:s28], [sflag:$0x5] =	stream.strided.gather [hbm4b:s26+s17], $0x1000, s18, s17, $0x38;
	[tilespmem:$0xC000] =	vst v63  }
.LBB2_2:
0x1d: {  	s23 =	sshll.u32 s13, $0xD  }
0x1e: {  	s16 =	sadd.s32 s23, s5  }
0x1f: {  	s16 =	sadd.s32 $0x1000, s16  }
0x20: {  	s25 =	simm.s32 $0x5000;
	s24 =	sadd.s32 s2, s16  }
0x21: {  	[tilespmem:s25], [sflag:$0x6] =	stream.strided.gather [hbm4b:s24+s17], $0x1000, s18, s17, $0x38;
	[tilespmem:$0xC000] =	vst v63  }
0x22: {  	s26 =	simm.s32 $0x6000;
	s25 =	sadd.s32 s16, s6  }
0x23: {  	[tilespmem:s26], [sflag:$0x7] =	stream.strided.gather [hbm4b:s25+s17], $0x1000, s18, s17, $0x38;
	[tilespmem:$0xC000] =	vst v63  }
0x24: {  	s25 =	sadd.s32 s16, s9;
	s26 =	simm.s32 $0x7000  }
0x25: {  	[tilespmem:s26], [sflag:$0x8] =	stream.strided.gather [hbm4b:s25+s17], $0x1000, s18, s17, $0x38;
	[tilespmem:$0xC000] =	vst v63  }
0x26: {  	p0 =	seq.s32 s13, $0x0;
	s25 =	sadd.s32 s16, s11;
	s26 =	simm.s32 $0x8000  }
0x27: {  	[tilespmem:s26], [sflag:$0x9] =	stream.strided.gather [hbm4b:s25+s17], $0x1000, s18, s17, $0x38;
	[tilespmem:$0xC000] =	vst v63  }
0x28: {  	s24 =	simm.s32 @!p0 $0xB;
	s25 =	sadd.s32 s16, s12;
	s26 =	simm.s32 $0x9000  }
0x29: {  	[tilespmem:s26], [sflag:$0xA] =	stream.strided.gather [hbm4b:s25+s17], $0x1000, s18, s17, $0x38;
	[tilespmem:$0xC000] =	vst v63  }
0x2a: {  	_ =	swait.ge @!p0 [sflag:s24], $0x1000  }
0x2b: {  	[sflag:s24] =	ssyncset.done @!p0 $0x0  }
0x2c: {  	[sflag:s24] =	ssyncadd.s32 @!p0 $0xFFFFF000  }
0x2d: {  	_ =	swait.ge [sflag:s29], $0x1000  }
0x2e: {  	[sflag:s29] =	ssyncset.done $0x0  }
0x2f: {  	[sflag:s29] =	ssyncadd.s32 $0xFFFFF000  }
0x30: {  	_ =	swait.ge [sflag:s30], $0x1000  }
0x31: {  	[sflag:s30] =	ssyncset.done $0x0  }
0x32: {  	[sflag:s30] =	ssyncadd.s32 $0xFFFFF000  }
0x33: {  	_ =	swait.ge [sflag:s31], $0x1000  }
0x34: {  	[sflag:s31] =	ssyncset.done $0x0  }
0x35: {  	[sflag:s31] =	ssyncadd.s32 $0xFFFFF000  }
0x36: {  	_ =	swait.ge [sflag:s0], $0x1000  }
0x37: {  	[sflag:s0] =	ssyncset.done $0x0  }
0x38: {  	[sflag:s0] =	ssyncadd.s32 $0xFFFFF000  }
0x39: {  	_ =	swait.ge [sflag:s1], $0x1000  }
0x3a: {  	[sflag:s1] =	ssyncset.done $0x0  }
0x3b: {  	s25 =	simm.s32 $0x0;
	[sflag:s1] =	ssyncadd.s32 $0xFFFFF000  }
0x3c: {  	v1 =	vld [tilespmem:s25+$0x0];
	_ =	sdelay $0x1  }
0x3d: {  	v2 =	vld [tilespmem:s25+$0x1000];
	_ =	sdelay $0x2  }
0x3e: {  	vm0 =	vgt.f32 v1, $9.090909360e-02;
	vm1 =	vgt.f32 v1, $5.454545620e-01  }
0x3f: {  	v4 =	vld [tilespmem:s25+$0x2000];
	v1 =	vsel vm0, $0x3F800000, v0;
	v3 =	vsel vm1, $0x3F800000, v0  }
0x40: {  	vm0 =	vgt.f32 v2, $1.818181870e-01;
	v1 =	vadd.f32 v3, v1  }
0x41: {  	s24 =	simm.s32 $0x10;
	v3 =	vsel vm0, $0x3F800000, v0  }
0x42: {  	v5 =	vld [tilespmem:s24+$0x0];
	vm0 =	vgt.f32 v2, $6.363636260e-01;
	v1 =	vadd.f32 v3, v1  }
0x43: {  	v2 =	vld [tilespmem:s25+$0x3000];
	v3 =	vsel vm0, $0x3F800000, v0  }
0x44: {  	vm0 =	vgt.f32 v4, $2.727272810e-01;
	v1 =	vadd.f32 v1, v3  }
0x45: {  	v6 =	vld [tilespmem:s24+$0x1000];
	v3 =	vsel vm0, $0x3F800000, v0  }
0x46: {  	vm0 =	vgt.f32 v4, $7.272727490e-01;
	v1 =	vadd.f32 v1, v3  }
0x47: {  	vm2 =	vgt.f32 v5, $9.090909360e-02;
	vm3 =	vgt.f32 v5, $5.454545620e-01;
	v4 =	vsel vm0, $0x3F800000, v0;
	v3 =	vld [tilespmem:s25+$0x4000]  }
0x48: {  	vm0 =	vgt.f32 v2, $3.636363740e-01;
	vm1 =	vgt.f32 v2, $8.181818120e-01;
	v1 =	vadd.f32 v1, v4  }
0x49: {  	v2 =	vsel vm2, $0x3F800000, v0;
	v5 =	vsel vm0, $0x3F800000, v0;
	v4 =	vsel vm3, $0x3F800000, v0  }
0x4a: {  	vm0 =	vgt.f32 v6, $1.818181870e-01;
	v2 =	vadd.f32 v4, v2;
	v5 =	vadd.f32 v1, v5;
	v1 =	vld [tilespmem:s24+$0x2000]  }
0x4b: {  	v7 =	vsel vm1, $0x3F800000, v0;
	v4 =	vsel vm0, $0x3F800000, v0;
	vm0 =	vgt.f32 v6, $6.363636260e-01  }
0x4c: {  	s28 =	simm.s32 $0xC0;
	s26 =	simm.s32 $0x20;
	vm1 =	vgt.f32 v3, $4.545454680e-01;
	v4 =	vadd.f32 v4, v2;
	v2 =	vld [tilespmem:s24+$0x3000];
	v5 =	vadd.f32 v5, v7  }
.LBB2_3:
0x4d: {  	v6 =	vld [tilespmem:s26+$0x0]  }
0x4e: {  	p0 =	sne.s32 s28, $0x3FC0;
	v7 =	vsel vm0, $0x3F800000, v0;
	v8 =	vsel vm1, $0x3F800000, v0;
	vm0 =	vgt.f32 v3, $9.090909360e-01  }
0x4f: {  	v3 =	vadd.f32 v4, v7;
	vm1 =	vgt.f32 v1, $2.727272810e-01;
	v4 =	vadd.f32 v5, v8  }
0x50: {  	v8 =	vsel vm0, $0x3F800000, v0;
	vm0 =	vgt.f32 v1, $7.272727490e-01;
	v5 =	vld [tilespmem:s26+$0x1000];
	v7 =	vsel vm1, $0x3F800000, v0  }
0x51: {  	v7 =	vadd.f32 v3, v7;
	v3 =	vld [tilespmem:s24+$0x4000];
	v1 =	vadd.f32 v4, v8;
	v4 =	vsel vm0, $0x3F800000, v0  }
0x52: {  	vm0 =	vgt.f32 v2, $3.636363740e-01;
	vm1 =	vgt.f32 v2, $8.181818120e-01;
	vm2 =	vgt.f32 v6, $9.090909360e-02  }
.Ltmp0:
0x53: {  	vm3 =	vgt.f32 v6, $5.454545620e-01;
	v2 =	vadd.f32 v7, v4;
	[tilespmem:s25+$0xA000] =	vst v1;
	s25 =	smov.u32 s24;
	s24 =	smov.u32 s26;
	(pc) =	sbr.rel @p0 .LBB2_3-.Ltmp0, $4  }
0x54: {  	v7 =	vsel vm0, $0x3F800000, v0;
	v4 =	vsel vm2, $0x3F800000, v0;
	v6 =	vsel vm3, $0x3F800000, v0;
	v1 =	vld [tilespmem:s24+$0x2000]  }
0x55: {  	v4 =	vadd.f32 v6, v4;
	vm0 =	vgt.f32 v5, $1.818181870e-01;
	v6 =	vadd.f32 v2, v7  }
0x56: {  	v7 =	vsel vm1, $0x3F800000, v0;
	v2 =	vsel vm0, $0x3F800000, v0;
	vm1 =	vgt.f32 v3, $4.545454680e-01  }
0x57: {  	s26 =	sshra.s32 s28, $0x2;
	s28 =	sadd.s32 $0x40, s28;
	vm0 =	vgt.f32 v5, $6.363636260e-01;
	v4 =	vadd.f32 v2, v4;
	v2 =	vld [tilespmem:s24+$0x3000];
	v5 =	vadd.f32 v6, v7  }
0x58: {  	v6 =	vld [tilespmem:s26+$0x0];
	v7 =	vsel vm1, $0x3F800000, v0  }
0x59: {  	vm1 =	vgt.f32 v3, $9.090909360e-01;
	v3 =	vadd.f32 v5, v7  }
0x5a: {  	v5 =	vld [tilespmem:s26+$0x1000];
	v7 =	vsel vm1, $0x3F800000, v0  }
0x5b: {  	v3 =	vadd.f32 v3, v7;
	_ =	sdelay $0x1  }
0x5c: {  	v7 =	vld [tilespmem:s24+$0x4000];
	vm1 =	vgt.f32 v6, $9.090909360e-02;
	vm2 =	vgt.f32 v6, $5.454545620e-01;
	[tilespmem:s25+$0xA000] =	vst v3  }
0x5d: {  	v3 =	vsel vm1, $0x3F800000, v0;
	v6 =	vsel vm2, $0x3F800000, v0;
	v8 =	vld [tilespmem:s26+$0x2000]  }
0x5e: {  	vm1 =	vgt.f32 v5, $1.818181870e-01;
	v3 =	vadd.f32 v6, v3  }
0x5f: {  	v6 =	vsel vm1, $0x3F800000, v0  }
0x60: {  	v3 =	vadd.f32 v6, v3;
	v6 =	vsel vm0, $0x3F800000, v0;
	vm0 =	vgt.f32 v5, $6.363636260e-01  }
0x61: {  	vm1 =	vgt.f32 v1, $2.727272810e-01;
	v5 =	vld [tilespmem:s26+$0x3000];
	v4 =	vadd.f32 v4, v6;
	v6 =	vsel vm0, $0x3F800000, v0  }
0x62: {  	v3 =	vadd.f32 v3, v6;
	v6 =	vsel vm1, $0x3F800000, v0;
	vm0 =	vgt.f32 v8, $2.727272810e-01  }
0x63: {  	vm1 =	vgt.f32 v1, $7.272727490e-01;
	v4 =	vadd.f32 v4, v6;
	v1 =	vsel vm0, $0x3F800000, v0  }
0x64: {  	v6 =	vsel vm1, $0x3F800000, v0;
	vm0 =	vgt.f32 v8, $7.272727490e-01;
	v1 =	vadd.f32 v3, v1  }
0x65: {  	vm1 =	vgt.f32 v2, $3.636363740e-01;
	v3 =	vadd.f32 v4, v6;
	v4 =	vld [tilespmem:s26+$0x4000];
	v6 =	vsel vm0, $0x3F800000, v0  }
0x66: {  	v63 =	vsel vm1, $0x3F800000, v0;
	vm0 =	vgt.f32 v5, $3.636363740e-01;
	v1 =	vadd.f32 v1, v6  }
0x67: {  	vm1 =	vgt.f32 v2, $8.181818120e-01;
	v2 =	vadd.f32 v3, v63;
	v3 =	vsel vm0, $0x3F800000, v0  }
0x68: {  	v6 =	vsel vm1, $0x3F800000, v0;
	vm0 =	vgt.f32 v5, $8.181818120e-01;
	v1 =	vadd.f32 v1, v3  }
0x69: {  	vm1 =	vgt.f32 v7, $4.545454680e-01;
	v3 =	vsel vm0, $0x3F800000, v0;
	v2 =	vadd.f32 v2, v6  }
0x6a: {  	v5 =	vsel vm1, $0x3F800000, v0;
	vm0 =	vgt.f32 v4, $4.545454680e-01;
	v1 =	vadd.f32 v1, v3  }
0x6b: {  	vm1 =	vgt.f32 v7, $9.090909360e-01;
	v2 =	vadd.f32 v2, v5;
	v3 =	vsel vm0, $0x3F800000, v0  }
0x6c: {  	v5 =	vsel vm1, $0x3F800000, v0;
	vm0 =	vgt.f32 v4, $9.090909360e-01;
	v1 =	vadd.f32 v1, v3  }
0x6d: {  	v3 =	vsel vm0, $0x3F800000, v0;
	v2 =	vadd.f32 v2, v5  }
0x6e: {  	s28 =	sadd.s32 s5, s23;
	v1 =	vadd.f32 v1, v3  }
0x6f: {  	p0 =	seq.s32 s13, $0x8;
	s28 =	sshrl.u32 s28, $0x3;
	[tilespmem:s24+$0xA000] =	vst v2  }
0x70: {  	s23 =	sadd.s32 @!p0 s23, s15;
	s25 =	simm.s32 @!p0 $0x80;
	s24 =	sadd.s32 s3, s28;
	[tilespmem:s26+$0xA000] =	vst v1  }
0x71: {  	[hbm4b:s24+s4] =	stream.linear.scatter [tilespmem:s19], [sflag:$0xB], $0x1000, $0x38;
	[tilespmem:$0xC000] =	vst v63  }
0x72: {  	s28 =	simm.s32 @!p0 $0x0;
	s26 =	simm.s32 @!p0 $0x400;
	s24 =	sadd.s32 @!p0 s2, s23  }
0x73: {  	[tilespmem:s28], [sflag:$0x1] =	stream.strided.gather @!p0 [hbm4b:s24+s25], $0x1000, s26, s25, $0x38;
	[tilespmem:$0xC000] =	vst v63  }
0x74: {  	s24 =	sadd.s32 @!p0 s23, s6;
	s28 =	simm.s32 @!p0 $0x1000  }
0x75: {  	[tilespmem:s28], [sflag:$0x2] =	stream.strided.gather @!p0 [hbm4b:s24+s25], $0x1000, s26, s25, $0x38;
	[tilespmem:$0xC000] =	vst v63  }
0x76: {  	s24 =	sadd.s32 @!p0 s23, s9;
	s28 =	simm.s32 @!p0 $0x2000  }
0x77: {  	[tilespmem:s28], [sflag:$0x3] =	stream.strided.gather @!p0 [hbm4b:s24+s25], $0x1000, s26, s25, $0x38;
	[tilespmem:$0xC000] =	vst v63  }
0x78: {  	s24 =	sadd.s32 @!p0 s23, s11;
	s28 =	simm.s32 @!p0 $0x3000  }
0x79: {  	[tilespmem:s28], [sflag:$0x4] =	stream.strided.gather @!p0 [hbm4b:s24+s25], $0x1000, s26, s25, $0x38;
	[tilespmem:$0xC000] =	vst v63  }
0x7a: {  	p1 =	seq.s32 @!p0 s13, $0x0;
	s23 =	sadd.s32 @!p0 s23, s12;
	s24 =	simm.s32 @!p0 $0x4000  }
0x7b: {  	[tilespmem:s24], [sflag:$0x5] =	stream.strided.gather @!p0 [hbm4b:s23+s25], $0x1000, s26, s25, $0x38;
	[tilespmem:$0xC000] =	vst v63  }
0x7c: {  	p0 =	por p0, !p1  }
0x7d: {  	_ =	swait.ge @p0 [sflag:s14], $0x1000  }
0x7e: {  	[sflag:s14] =	ssyncset.done @p0 $0x0  }
0x7f: {  	[sflag:s14] =	ssyncadd.s32 @p0 $0xFFFFF000  }
0x80: {  	_ =	swait.ge [sflag:s20], $0x1000  }
0x81: {  	[sflag:s20] =	ssyncset.done $0x0  }
0x82: {  	[sflag:s20] =	ssyncadd.s32 $0xFFFFF000  }
0x83: {  	_ =	swait.ge [sflag:s21], $0x1000  }
0x84: {  	[sflag:s21] =	ssyncset.done $0x0  }
0x85: {  	[sflag:s21] =	ssyncadd.s32 $0xFFFFF000  }
0x86: {  	_ =	swait.ge [sflag:s22], $0x1000  }
0x87: {  	[sflag:s22] =	ssyncset.done $0x0  }
0x88: {  	[sflag:s22] =	ssyncadd.s32 $0xFFFFF000  }
0x89: {  	_ =	swait.ge [sflag:s7], $0x1000  }
0x8a: {  	[sflag:s7] =	ssyncset.done $0x0  }
0x8b: {  	[sflag:s7] =	ssyncadd.s32 $0xFFFFF000  }
0x8c: {  	_ =	swait.ge [sflag:s8], $0x1000  }
0x8d: {  	[sflag:s8] =	ssyncset.done $0x0  }
0x8e: {  	s24 =	simm.s32 $0x0;
	[sflag:s8] =	ssyncadd.s32 $0xFFFFF000  }
0x8f: {  	v1 =	vld [tilespmem:s24+$0x5000];
	_ =	sdelay $0x1  }
0x90: {  	v2 =	vld [tilespmem:s24+$0x6000];
	_ =	sdelay $0x2  }
0x91: {  	vm0 =	vgt.f32 v1, $9.090909360e-02;
	vm1 =	vgt.f32 v1, $5.454545620e-01  }
0x92: {  	v4 =	vld [tilespmem:s24+$0x7000];
	v1 =	vsel vm0, $0x3F800000, v0;
	v3 =	vsel vm1, $0x3F800000, v0  }
0x93: {  	vm0 =	vgt.f32 v2, $1.818181870e-01;
	v1 =	vadd.f32 v3, v1  }
0x94: {  	s23 =	simm.s32 $0x10;
	v3 =	vsel vm0, $0x3F800000, v0  }
0x95: {  	v5 =	vld [tilespmem:s23+$0x5000];
	vm0 =	vgt.f32 v2, $6.363636260e-01;
	v1 =	vadd.f32 v3, v1  }
0x96: {  	v2 =	vld [tilespmem:s24+$0x8000];
	v3 =	vsel vm0, $0x3F800000, v0  }
0x97: {  	vm0 =	vgt.f32 v4, $2.727272810e-01;
	v1 =	vadd.f32 v1, v3  }
0x98: {  	v6 =	vld [tilespmem:s23+$0x6000];
	v3 =	vsel vm0, $0x3F800000, v0  }
0x99: {  	vm0 =	vgt.f32 v4, $7.272727490e-01;
	v1 =	vadd.f32 v1, v3  }
0x9a: {  	vm2 =	vgt.f32 v5, $9.090909360e-02;
	vm3 =	vgt.f32 v5, $5.454545620e-01;
	v4 =	vsel vm0, $0x3F800000, v0;
	v3 =	vld [tilespmem:s24+$0x9000]  }
0x9b: {  	vm0 =	vgt.f32 v2, $3.636363740e-01;
	vm1 =	vgt.f32 v2, $8.181818120e-01;
	v1 =	vadd.f32 v1, v4  }
0x9c: {  	v2 =	vsel vm2, $0x3F800000, v0;
	v5 =	vsel vm0, $0x3F800000, v0;
	v4 =	vsel vm3, $0x3F800000, v0  }
0x9d: {  	vm0 =	vgt.f32 v6, $1.818181870e-01;
	v2 =	vadd.f32 v4, v2;
	v5 =	vadd.f32 v1, v5;
	v1 =	vld [tilespmem:s23+$0x7000]  }
0x9e: {  	v7 =	vsel vm1, $0x3F800000, v0;
	v4 =	vsel vm0, $0x3F800000, v0;
	vm0 =	vgt.f32 v6, $6.363636260e-01  }
0x9f: {  	s13 =	sadd.s32 $0x1, s13;
	s25 =	simm.s32 $0x20;
	s26 =	simm.s32 $0xC0;
	vm1 =	vgt.f32 v3, $4.545454680e-01;
	v4 =	vadd.f32 v4, v2;
	v2 =	vld [tilespmem:s23+$0x8000];
	v5 =	vadd.f32 v5, v7  }
.LBB2_5:
0xa0: {  	v6 =	vld [tilespmem:s25+$0x5000]  }
0xa1: {  	p0 =	sne.s32 s26, $0x3FC0;
	v7 =	vsel vm0, $0x3F800000, v0;
	v8 =	vsel vm1, $0x3F800000, v0;
	vm0 =	vgt.f32 v3, $9.090909360e-01  }
0xa2: {  	v3 =	vadd.f32 v4, v7;
	vm1 =	vgt.f32 v1, $2.727272810e-01;
	v4 =	vadd.f32 v5, v8  }
0xa3: {  	v8 =	vsel vm0, $0x3F800000, v0;
	vm0 =	vgt.f32 v1, $7.272727490e-01;
	v5 =	vld [tilespmem:s25+$0x6000];
	v7 =	vsel vm1, $0x3F800000, v0  }
0xa4: {  	v7 =	vadd.f32 v3, v7;
	v3 =	vld [tilespmem:s23+$0x9000];
	v1 =	vadd.f32 v4, v8;
	v4 =	vsel vm0, $0x3F800000, v0  }
0xa5: {  	vm0 =	vgt.f32 v2, $3.636363740e-01;
	vm1 =	vgt.f32 v2, $8.181818120e-01;
	vm2 =	vgt.f32 v6, $9.090909360e-02  }
.Ltmp1:
0xa6: {  	vm3 =	vgt.f32 v6, $5.454545620e-01;
	v2 =	vadd.f32 v7, v4;
	[tilespmem:s24+$0xB000] =	vst v1;
	s24 =	smov.u32 s23;
	s23 =	smov.u32 s25;
	(pc) =	sbr.rel @p0 .LBB2_5-.Ltmp1, $4  }
0xa7: {  	v7 =	vsel vm0, $0x3F800000, v0;
	v4 =	vsel vm2, $0x3F800000, v0;
	v6 =	vsel vm3, $0x3F800000, v0;
	v1 =	vld [tilespmem:s23+$0x7000]  }
0xa8: {  	v4 =	vadd.f32 v6, v4;
	vm0 =	vgt.f32 v5, $1.818181870e-01;
	v6 =	vadd.f32 v2, v7  }
0xa9: {  	v7 =	vsel vm1, $0x3F800000, v0;
	v2 =	vsel vm0, $0x3F800000, v0;
	vm1 =	vgt.f32 v3, $4.545454680e-01  }
0xaa: {  	s25 =	sshra.s32 s26, $0x2;
	s26 =	sadd.s32 $0x40, s26;
	vm0 =	vgt.f32 v5, $6.363636260e-01;
	v4 =	vadd.f32 v2, v4;
	v2 =	vld [tilespmem:s23+$0x8000];
	v5 =	vadd.f32 v6, v7  }
0xab: {  	v6 =	vld [tilespmem:s25+$0x5000];
	v7 =	vsel vm1, $0x3F800000, v0  }
0xac: {  	vm12 =	vgt.f32 v3, $9.090909360e-01;
	v3 =	vadd.f32 v5, v7  }
0xad: {  	v49 =	vld [tilespmem:s25+$0x6000];
	v50 =	vsel vm12, $0x3F800000, v0  }
0xae: {  	v3 =	vadd.f32 v3, v50;
	_ =	sdelay $0x1  }
0xaf: {  	v51 =	vld [tilespmem:s23+$0x9000];
	vm13 =	vgt.f32 v6, $9.090909360e-02;
	vm2 =	vgt.f32 v6, $5.454545620e-01;
	[tilespmem:s24+$0xB000] =	vst v3  }
0xb0: {  	v3 =	vsel vm13, $0x3F800000, v0;
	v6 =	vsel vm2, $0x3F800000, v0;
	v8 =	vld [tilespmem:s25+$0x7000]  }
0xb1: {  	vm14 =	vgt.f32 v49, $1.818181870e-01;
	v3 =	vadd.f32 v6, v3  }
0xb2: {  	v52 =	vsel vm14, $0x3F800000, v0  }
0xb3: {  	v53 =	vsel vm0, $0x3F800000, v0;
	vm15 =	vgt.f32 v49, $6.363636260e-01;
	v3 =	vadd.f32 v52, v3  }
0xb4: {  	v4 =	vadd.f32 v4, v53;
	vm4 =	vgt.f32 v1, $2.727272810e-01;
	v54 =	vld [tilespmem:s25+$0x8000];
	v55 =	vsel vm15, $0x3F800000, v0  }
0xb5: {  	v56 =	vsel vm4, $0x3F800000, v0;
	v3 =	vadd.f32 v3, v55;
	vm5 =	vgt.f32 v8, $2.727272810e-01  }
0xb6: {  	vm6 =	vgt.f32 v1, $7.272727490e-01;
	v4 =	vadd.f32 v4, v56;
	v1 =	vsel vm5, $0x3F800000, v0  }
0xb7: {  	v57 =	vsel vm6, $0x3F800000, v0;
	vm7 =	vgt.f32 v8, $7.272727490e-01;
	v1 =	vadd.f32 v3, v1  }
0xb8: {  	vm8 =	vgt.f32 v2, $3.636363740e-01;
	v58 =	vld [tilespmem:s25+$0x9000];
	v59 =	vsel vm7, $0x3F800000, v0;
	v3 =	vadd.f32 v4, v57  }
0xb9: {  	v60 =	vsel vm8, $0x3F800000, v0;
	vm9 =	vgt.f32 v54, $3.636363740e-01;
	v1 =	vadd.f32 v1, v59  }
0xba: {  	vm10 =	vgt.f32 v2, $8.181818120e-01;
	v2 =	vadd.f32 v3, v60;
	v3 =	vsel vm9, $0x3F800000, v0  }
0xbb: {  	v61 =	vsel vm10, $0x3F800000, v0;
	vm11 =	vgt.f32 v54, $8.181818120e-01;
	v1 =	vadd.f32 v1, v3  }
0xbc: {  	vm12 =	vgt.f32 v51, $4.545454680e-01;
	v2 =	vadd.f32 v2, v61;
	v3 =	vsel vm11, $0x3F800000, v0  }
0xbd: {  	v62 =	vsel vm12, $0x3F800000, v0;
	vm13 =	vgt.f32 v58, $4.545454680e-01;
	v1 =	vadd.f32 v1, v3  }
0xbe: {  	vm14 =	vgt.f32 v51, $9.090909360e-01;
	v2 =	vadd.f32 v2, v62;
	v3 =	vsel vm13, $0x3F800000, v0  }
0xbf: {  	p0 =	sne.s32 s13, $0x9;
	v63 =	vsel vm14, $0x3F800000, v0;
	vm15 =	vgt.f32 v58, $9.090909360e-01;
	v1 =	vadd.f32 v1, v3  }
.Ltmp2:
0xc0: {  	v2 =	vadd.f32 v2, v63;
	v3 =	vsel vm15, $0x3F800000, v0;
	(pc) =	sbr.rel @p0 .LBB2_2-.Ltmp2, $4  }
0xc1: {  	v1 =	vadd.f32 v1, v3  }
0xc2: {  	s16 =	sshrl.u32 s16, $0x3;
	[tilespmem:s23+$0xB000] =	vst v2  }
0xc3: {  	s16 =	sadd.s32 s3, s16;
	[tilespmem:s25+$0xB000] =	vst v1  }
0xc4: {  	[hbm4b:s16+s4] =	stream.linear.scatter [tilespmem:s10], [sflag:$0xC], $0x1000, $0x38;
	[tilespmem:$0xC000] =	vst v63  }
0xc5: {  	s13 =	simm.s32 $0xB  }
0xc6: {  	_ =	swait.ge [sflag:s13], $0x1000  }
0xc7: {  	[sflag:s13] =	ssyncset.done $0x0  }
0xc8: {  	[sflag:s13] =	ssyncadd.s32 $0xFFFFF000  }
0xc9: {  	_ =	swait.ge [sflag:s14], $0x1000  }
0xca: {  	s16 =	rddreg [dreg:$0x9]  }
0xcb: {  	s28 =	rddreg [dreg:$0x8];
	s16 =	sadd.s32 $0x1, s16  }
0xcc: {  	p0 =	sne.s32 s16, s28  }
.Ltmp3:
0xcd: {  	_ = 	snop;
	(pc) =	sbr.rel @p0 .LBB2_1-.Ltmp3, $3  }
0xce: {  	_ =	sdelay $0x1  }
0xcf: {  	[sflag:s14] =	ssyncset.done $0x0  }
0xd0: {  	[sflag:s14] =	ssyncadd.s32 $0xFFFFF000  }
0xd1: {  	_ =	sfence.sel $0x180000  }
0xd2: {  	[bflag:$0x0] =	sbarrier.arrive $0xFFFF  }
0xd3: {  	_ =	strace $0x90000047  }
0xd4: {  	s0 =	stileid.u32;
	[bflag:$0x2] =	sbarrier.arrive $0xFFFF  }
0xd5: {  	p0 =	sne.s32 s0, $0x0;
	s0 =	rddreg [dreg:$0x2]  }
0xd6: {  	s0 =	sadd.s32 @!p0 $0x100000, s0  }
0xd7: {  	[sflag:s0] =	ssyncadd.tile.s32 @!p0 $0x1;
	_ =	shalt  }
.Lfunc_end2:
_tile_overlayer_lowered:
.L_overlay_start_2:
0xd8: {  	(tag) =	ssettag $0x2  }
0xd9: {  	s0 =	rddreg [dreg:$0x0];
	s2 =	stileid.u32  }
0xda: {  	s1 =	rddreg [dreg:$0x1];
	p0 =	sne.s32 s2, $0x0  }
0xdb: {  	s3 =	rddreg [dreg:$0x2];
	[bflag:$0x3] =	sbarrier.arrive $0xFFFF;
	s2 =	simm.s32 @!p0 $0x1C0D  }
0xdc: {  	[timem:s3], [sflag:s2] =	dma.local @!p0 [hbm:s0], s1  }
0xdd: {  	s0 =	simm.s32 @!p0 $0xD  }
0xde: {  	_ =	swait.ge @!p0 [sflag:s0], s1  }
0xdf: {  	s1 =	ssub.s32 @!p0 $0x0, s1;
	[sflag:s0] =	ssyncset.done @!p0 $0x0  }
0xe0: {  	[sflag:s0] =	ssyncadd.s32 @!p0 s1  }
0xe1: {  	[bflag:$0x3] =	sbarrier.arrive $0xFFFF  }
0xe2: {  	_ =	shalt  }

</sc_bundles>
